<compile_context>
chip_gen: v7x
topology: tpu7x:2x2x1
jax: 0.10.2.dev20260603
libtpu: 0.0.44.dev20260713+nightly
codegen_flags: <defaults>
</compile_context>

<pallas_src>
import functools

import jax
import jax.numpy as jnp
import numpy as np
from jax import lax
from jax.experimental import pallas as pl
from jax.experimental.pallas import tpu as pltpu
from jax.experimental.pallas import tpu_sc as plsc

_F = 26
_D = 16
_BATCH = 4096
_FIELD = 100000
_COLS = _F * _FIELD

_NC = 2
_NS = 16
_NW = _NC * _NS

_C = 10240
_NFULL = _COLS // _C
_SCAN_END = (_COLS // 128) * 128
_TAIL = _SCAN_END - _NFULL * _C
_TAILW = _NFULL % _NS
_NLAST = _COLS - _SCAN_END

_G = _BATCH // 16

_OFFSETS = np.arange(_F, dtype=np.int32) * _FIELD


def _scan_body(tab_hbm, idx_hbm, sp_hbm, qp_hbm, chunk_v, s_v, q_v, xg_v):
    c = lax.axis_index("c")
    t = lax.axis_index("s")
    wid = c * _NS + t

    zero = jnp.zeros((16,), jnp.float32)

    def init_body(g, carry):
        sl = pl.ds(g * 16, 16)
        for d in range(8):
            s_v[d, sl] = zero
        q_v[sl] = zero
        return carry

    lax.fori_loop(0, _G, init_body, 0)

    def serve(base, size):
        def serve_field(f):
            pltpu.sync_copy(
                idx_hbm.at[pl.ds(pl.multiple_of(f * _BATCH, 8), _BATCH)],
                xg_v)

            def group_body(g, carry):
                sl = pl.ds(g * 16, 16)
                g16 = xg_v[sl]
                col = g16 - base
                m = (col >= 0) & (col < size)

                @pl.when(jnp.any(m))
                def _():
                    colc = jnp.minimum(jnp.maximum(col, 0), size - 1)
                    q16 = q_v[sl]
                    for d in range(8):
                        v = plsc.load_gather(
                            chunk_v, [jnp.full((16,), d, jnp.int32), colc])
                        v = jnp.where(m, v, 0.0)
                        s_v[d, sl] = s_v[d, sl] + v
                        q16 = q16 + v * v
                    q_v[sl] = q16

                return carry

            lax.fori_loop(0, _G, group_body, 0)

        f0 = base // _FIELD
        f1 = (base + size - 1) // _FIELD
        serve_field(f0)

        @pl.when(f1 != f0)
        def _():
            serve_field(f1)

    n_chunks = (_NFULL - t + _NS - 1) // _NS

    def chunk_body(i, carry):
        k = t + i * _NS
        base = pl.multiple_of(k * _C, 128)
        pltpu.sync_copy(
            tab_hbm.at[pl.ds(pl.multiple_of(c * 8, 8), 8), pl.ds(base, _C)],
            chunk_v)
        serve(base, _C)
        return carry

    lax.fori_loop(0, n_chunks, chunk_body, 0)

    @pl.when(t == _TAILW)
    def _():
        base = _NFULL * _C
        pltpu.sync_copy(
            tab_hbm.at[pl.ds(pl.multiple_of(c * 8, 8), 8),
                       pl.ds(base, _TAIL)],
            chunk_v.at[:, pl.ds(0, _TAIL)])
        serve(base, _TAIL)

    pltpu.sync_copy(s_v, sp_hbm.at[wid])
    pltpu.sync_copy(q_v, qp_hbm.at[wid])


_scan_kernel = functools.partial(
    pl.kernel,
    out_type=(
        jax.ShapeDtypeStruct((_NW, 8, _BATCH), jnp.float32),
        jax.ShapeDtypeStruct((_NW, _BATCH), jnp.float32),
    ),
    mesh=plsc.VectorSubcoreMesh(core_axis_name="c", subcore_axis_name="s"),
    compiler_params=pltpu.CompilerParams(needs_layout_passes=False),
    scratch_types=[
        pltpu.VMEM((8, _C), jnp.float32),
        pltpu.VMEM((8, _BATCH), jnp.float32),
        pltpu.VMEM((_BATCH,), jnp.float32),
        pltpu.VMEM((_BATCH,), jnp.int32),
    ],
)(_scan_body)


def _finalize_body(sp_ref, qp_ref, tail_ref, idxt_ref, o_ref):
    s0 = jnp.sum(sp_ref[0:_NS], axis=0)
    s1 = jnp.sum(sp_ref[_NS:_NW], axis=0)
    s = jnp.concatenate([s0, s1], axis=0)
    idxt = idxt_ref[...]
    onehot = jnp.where(
        lax.broadcasted_iota(jnp.int32, (_NLAST, _BATCH), 0) == idxt[None, :],
        1.0, 0.0)
    tail = tail_ref[...]
    s = s + jnp.dot(tail, onehot, preferred_element_type=jnp.float32)
    rs = jnp.sum(tail * tail, axis=0)
    q_tail = jnp.sum(onehot * rs[:, None], axis=0)
    ssq = jnp.sum(s * s, axis=0)
    q = jnp.sum(qp_ref[...], axis=0) + q_tail
    o_ref[...] = jax.nn.sigmoid(0.5 * (ssq - q))


_finalize_kernel = pl.pallas_call(
    _finalize_body,
    out_shape=jax.ShapeDtypeStruct((_BATCH,), jnp.float32),
)


def kernel(x, table):
    idx = x.astype(jnp.int32) + jnp.asarray(_OFFSETS)[None, :]
    idx_flat = idx.T.reshape(-1)
    sp, qp = _scan_kernel(table.T, idx_flat)
    tail = table.T[:, _SCAN_END:]
    idxt = idx[:, _F - 1] - _SCAN_END
    return _finalize_kernel(sp, qp, tail, idxt)

# --- scband reference (transcript-rebuilt; emitter-appended) ---
"""Pipeline reference for scband-factorization-machine-model-no-linear-28166395527384 (READ-ONLY COPY).

The authoritative reference and input builder live on the scoring server;
editing this copy changes nothing except your own understanding.
"""

import jax, jax.numpy as jnp
import numpy as np

FIELD_DIMS = [100000] * 26
EMBED_DIM = 16
BATCH = 4096


def setup_inputs(seed: int = 0) -> dict:
    key = jax.random.key(seed)
    k1, k2 = jax.random.split(key)
    x = jax.random.randint(k1, (BATCH, len(FIELD_DIMS)), 0, 100000, dtype=jnp.int64 if jax.config.jax_enable_x64 else jnp.int32)
    total = int(sum(FIELD_DIMS))
    # xavier_uniform-like init for the embedding table
    limit = float(np.sqrt(6.0 / (total + EMBED_DIM)))
    table = jax.random.uniform(k2, (total, EMBED_DIM), dtype=jnp.float32, minval=-limit, maxval=limit)
    return {"x": x, "table": table}


def reference(x, table):
    # FeaturesEmbedding: add per-field offsets, then gather
    offsets = jnp.asarray(np.array((0, *np.cumsum(FIELD_DIMS)[:-1]), dtype=np.int64), dtype=x.dtype)
    idx = x + offsets[None, :]
    emb = jnp.take(table, idx, axis=0)  # [B, F, D]
    # FactorizationMachine with reduce_sum=True
    square_of_sum = jnp.sum(emb, axis=1) ** 2          # [B, D]
    sum_of_square = jnp.sum(emb ** 2, axis=1)          # [B, D]
    ix = 0.5 * jnp.sum(square_of_sum - sum_of_square, axis=1, keepdims=True)  # [B, 1]
    out = jax.nn.sigmoid(jnp.squeeze(ix, axis=1))      # [B]
    return out

if __name__ == "__main__":
    import jax
    _d = setup_inputs()
    print(jax.jit(kernel)(*tuple(_d.values())))

</pallas_src>

<mosaic_0001>
#map = affine_map<(d0, d1) -> (0, 0)>
#map1 = affine_map<(d0, d1) -> (0)>
#map2 = affine_map<(d0, d1) -> (0, 0, 0)>
module attributes {stable_mosaic.version = 14 : i64} {
  func.func @_scan_body(%arg0: i32, %arg1: i32, %arg2: memref<16x2600000xf32, #tpu.memory_space<hbm>>, %arg3: memref<106496xi32, #tpu.memory_space<hbm>>, %arg4: memref<32x8x4096xf32, #tpu.memory_space<hbm>>, %arg5: memref<32x4096xf32, #tpu.memory_space<hbm>>, %arg6: memref<8x10240xf32, #tpu.memory_space<vmem>>, %arg7: memref<8x4096xf32, #tpu.memory_space<vmem>>, %arg8: memref<4096xf32, #tpu.memory_space<vmem>>, %arg9: memref<4096xi32, #tpu.memory_space<vmem>>) attributes {dimension_semantics = [#tpu.dimension_semantics<core_parallel>, #tpu.dimension_semantics<subcore_parallel>], iteration_bounds = array<i64: 2, 16>, scalar_prefetch = 0 : i64, scratch_operands = 4 : i64, tpu.core_type = #tpu.core_type<sc_vector_subcore>, window_params = [{transform_indices = #map}, {transform_indices = #map1}, {transform_indices = #map2}, {transform_indices = #map}]} {
    %mul3A = arith.constant 16 : i32
    %mul3A_0 = arith.muli %arg0, %mul3A : i32
    %add3A = arith.addi %mul3A_0, %arg1 : i32
    %broadcast_in_dim3A = arith.constant 0.000000e+00 : f32
    %broadcast_in_dim3A_1 = vector.broadcast %broadcast_in_dim3A : f32 to vector<16xf32>
    %scan3A = arith.constant 0 : i32
    %scan3A_2 = arith.constant 0 : i32
    %scan3A_3 = arith.constant 256 : i32
    %scan3A_4 = arith.addi %scan3A_2, %scan3A_3 : i32
    %scan3A_5 = arith.constant 1 : i32
    scf.for %scan3A_40 = %scan3A_2 to %scan3A_4 step %scan3A_5  : i32 {
      %mul3A_41 = arith.constant 16 : i32
      %mul3A_42 = arith.muli %scan3A_40, %mul3A_41 : i32
      %swap3A = arith.constant 0 : i32
      %swap3A_43 = arith.index_cast %swap3A : i32 to index
      %swap3A_44 = arith.index_cast %mul3A_42 : i32 to index
      %swap3A_45 = tpu.vector_load %arg7[%swap3A_43, %swap3A_44] {strides = array<i32>} : memref<8x4096xf32, #tpu.memory_space<vmem>>, vector<16xf32>,
      tpu.vector_store %arg7[%swap3A_43, %swap3A_44], %broadcast_in_dim3A_1 {strides = array<i32>} : memref<8x4096xf32, #tpu.memory_space<vmem>>, vector<16xf32>,
      %swap3A_46 = arith.constant 1 : i32
      %swap3A_47 = arith.index_cast %swap3A_46 : i32 to index
      %swap3A_48 = arith.index_cast %mul3A_42 : i32 to index
      %swap3A_49 = tpu.vector_load %arg7[%swap3A_47, %swap3A_48] {strides = array<i32>} : memref<8x4096xf32, #tpu.memory_space<vmem>>, vector<16xf32>,
      tpu.vector_store %arg7[%swap3A_47, %swap3A_48], %broadcast_in_dim3A_1 {strides = array<i32>} : memref<8x4096xf32, #tpu.memory_space<vmem>>, vector<16xf32>,
      %swap3A_50 = arith.constant 2 : i32
      %swap3A_51 = arith.index_cast %swap3A_50 : i32 to index
      %swap3A_52 = arith.index_cast %mul3A_42 : i32 to index
      %swap3A_53 = tpu.vector_load %arg7[%swap3A_51, %swap3A_52] {strides = array<i32>} : memref<8x4096xf32, #tpu.memory_space<vmem>>, vector<16xf32>,
      tpu.vector_store %arg7[%swap3A_51, %swap3A_52], %broadcast_in_dim3A_1 {strides = array<i32>} : memref<8x4096xf32, #tpu.memory_space<vmem>>, vector<16xf32>,
      %swap3A_54 = arith.constant 3 : i32
      %swap3A_55 = arith.index_cast %swap3A_54 : i32 to index
      %swap3A_56 = arith.index_cast %mul3A_42 : i32 to index
      %swap3A_57 = tpu.vector_load %arg7[%swap3A_55, %swap3A_56] {strides = array<i32>} : memref<8x4096xf32, #tpu.memory_space<vmem>>, vector<16xf32>,
      tpu.vector_store %arg7[%swap3A_55, %swap3A_56], %broadcast_in_dim3A_1 {strides = array<i32>} : memref<8x4096xf32, #tpu.memory_space<vmem>>, vector<16xf32>,
      %swap3A_58 = arith.constant 4 : i32
      %swap3A_59 = arith.index_cast %swap3A_58 : i32 to index
      %swap3A_60 = arith.index_cast %mul3A_42 : i32 to index
      %swap3A_61 = tpu.vector_load %arg7[%swap3A_59, %swap3A_60] {strides = array<i32>} : memref<8x4096xf32, #tpu.memory_space<vmem>>, vector<16xf32>,
      tpu.vector_store %arg7[%swap3A_59, %swap3A_60], %broadcast_in_dim3A_1 {strides = array<i32>} : memref<8x4096xf32, #tpu.memory_space<vmem>>, vector<16xf32>,
      %swap3A_62 = arith.constant 5 : i32
      %swap3A_63 = arith.index_cast %swap3A_62 : i32 to index
      %swap3A_64 = arith.index_cast %mul3A_42 : i32 to index
      %swap3A_65 = tpu.vector_load %arg7[%swap3A_63, %swap3A_64] {strides = array<i32>} : memref<8x4096xf32, #tpu.memory_space<vmem>>, vector<16xf32>,
      tpu.vector_store %arg7[%swap3A_63, %swap3A_64], %broadcast_in_dim3A_1 {strides = array<i32>} : memref<8x4096xf32, #tpu.memory_space<vmem>>, vector<16xf32>,
      %swap3A_66 = arith.constant 6 : i32
      %swap3A_67 = arith.index_cast %swap3A_66 : i32 to index
      %swap3A_68 = arith.index_cast %mul3A_42 : i32 to index
      %swap3A_69 = tpu.vector_load %arg7[%swap3A_67, %swap3A_68] {strides = array<i32>} : memref<8x4096xf32, #tpu.memory_space<vmem>>, vector<16xf32>,
      tpu.vector_store %arg7[%swap3A_67, %swap3A_68], %broadcast_in_dim3A_1 {strides = array<i32>} : memref<8x4096xf32, #tpu.memory_space<vmem>>, vector<16xf32>,
      %swap3A_70 = arith.constant 7 : i32
      %swap3A_71 = arith.index_cast %swap3A_70 : i32 to index
      %swap3A_72 = arith.index_cast %mul3A_42 : i32 to index
      %swap3A_73 = tpu.vector_load %arg7[%swap3A_71, %swap3A_72] {strides = array<i32>} : memref<8x4096xf32, #tpu.memory_space<vmem>>, vector<16xf32>,
      tpu.vector_store %arg7[%swap3A_71, %swap3A_72], %broadcast_in_dim3A_1 {strides = array<i32>} : memref<8x4096xf32, #tpu.memory_space<vmem>>, vector<16xf32>,
      %swap3A_74 = arith.index_cast %mul3A_42 : i32 to index
      %swap3A_75 = tpu.vector_load %arg8[%swap3A_74] {strides = array<i32>} : memref<4096xf32, #tpu.memory_space<vmem>>, vector<16xf32>,
      tpu.vector_store %arg8[%swap3A_74], %broadcast_in_dim3A_1 {strides = array<i32>} : memref<4096xf32, #tpu.memory_space<vmem>>, vector<16xf32>,
    }
    %scan3A_6 = arith.constant 256 : i32
    %sub3A = arith.constant 253 : i32
    %sub3A_7 = arith.subi %sub3A, %arg1 : i32
    %add3A_8 = arith.constant 16 : i32
    %add3A_9 = arith.addi %sub3A_7, %add3A_8 : i32
    %sub3A_10 = arith.constant 1 : i32
    %sub3A_11 = arith.subi %add3A_9, %sub3A_10 : i32
    %jit3A = arith.constant 16 : i32
    %div3A = arith.divsi %sub3A_11, %jit3A : i32
    %sign3A = arith.constant 0 : i32
    %sign3A_12 = arith.cmpi sgt, %sub3A_11, %sign3A : i32
    %sign3A_13 = arith.extui %sign3A_12 : i1 to i32
    %sign3A_14 = arith.constant 0 : i32
    %sign3A_15 = arith.cmpi slt, %sub3A_11, %sign3A_14 : i32
    %sign3A_16 = arith.extui %sign3A_15 : i1 to i32
    %sign3A_17 = arith.subi %sign3A_13, %sign3A_16 : i32
    %sign3A_18 = arith.constant 0 : i32
    %sign3A_19 = arith.cmpi sgt, %jit3A, %sign3A_18 : i32
    %sign3A_20 = arith.extui %sign3A_19 : i1 to i32
    %sign3A_21 = arith.constant 0 : i32
    %sign3A_22 = arith.cmpi slt, %jit3A, %sign3A_21 : i32
    %sign3A_23 = arith.extui %sign3A_22 : i1 to i32
    %sign3A_24 = arith.subi %sign3A_20, %sign3A_23 : i32
    %ne3A = arith.cmpi ne, %sign3A_17, %sign3A_24 : i32
    %rem3A = arith.remsi %sub3A_11, %jit3A : i32
    %ne3A_25 = arith.constant 0 : i32
    %ne3A_26 = arith.cmpi ne, %rem3A, %ne3A_25 : i32
    %and3A = arith.andi %ne3A, %ne3A_26 : i1
    %sub3A_27 = arith.constant 1 : i32
    %sub3A_28 = arith.subi %div3A, %sub3A_27 : i32
    %select_n3A = arith.select %and3A, %sub3A_28, %div3A : i32
    %while3A = arith.constant 0 : i32
    %while3A_29 = arith.constant 0 : i32
    %while3A_30 = arith.subi %select_n3A, %while3A_29 : i32
    %while3A_31 = arith.addi %while3A_29, %while3A_30 : i32
    %while3A_32 = arith.constant 1 : i32
    %while3A_33 = arith.divsi %while3A_30, %while3A_32 : i32
    %while3A_34 = arith.muli %while3A_33, %while3A_32 : i32
    %while3A_35 = arith.addi %while3A_29, %while3A_34 : i32
    %while3A_36 = arith.constant 1 : i32
    scf.for %while3A_40 = %while3A_29 to %while3A_35 step %while3A_36  : i32 {
      %mul3A_41 = arith.constant 16 : i32
      %mul3A_42 = arith.muli %while3A_40, %mul3A_41 : i32
      %add3A_43 = arith.addi %arg1, %mul3A_42 : i32
      %mul3A_44 = arith.constant 10240 : i32
      %mul3A_45 = arith.muli %add3A_43, %mul3A_44 : i32
      %multiple_of3A = tpu.assume_multiple %mul3A_45, 128 : i32
      %mul3A_46 = arith.constant 8 : i32
      %mul3A_47 = arith.muli %arg0, %mul3A_46 : i32
      %multiple_of3A_48 = tpu.assume_multiple %mul3A_47, 8 : i32
      "tpu.region"() ({
        %run_scoped3A = tpu.sem_alloc : memref<!tpu.dma_semaphore, #tpu.memory_space<semaphore_mem>>
        %dma_start3A = tpu.memref_slice %arg2[%multiple_of3A_48, %multiple_of3A] : memref<16x2600000xf32, #tpu.memory_space<hbm>> -> memref<8x10240xf32, #tpu.memory_space<hbm>>
        %dma_start3A_114 = tpu.memref_slice %arg2[%multiple_of3A_48, %multiple_of3A] : memref<16x2600000xf32, #tpu.memory_space<hbm>> -> memref<8x10240xf32, #tpu.memory_space<hbm>>
        tpu.enqueue_dma source(%dma_start3A_114 : memref<8x10240xf32, #tpu.memory_space<hbm>>) target(%arg6 : memref<8x10240xf32, #tpu.memory_space<vmem>>) target_semaphore(%run_scoped3A : memref<!tpu.dma_semaphore, #tpu.memory_space<semaphore_mem>>)
        %dma_wait3A = tpu.memref_slice %arg2[%multiple_of3A_48, %multiple_of3A] : memref<16x2600000xf32, #tpu.memory_space<hbm>> -> memref<8x10240xf32, #tpu.memory_space<hbm>>
        %dma_wait3A_115 = tpu.memref_slice %arg2[%multiple_of3A_48, %multiple_of3A] : memref<16x2600000xf32, #tpu.memory_space<hbm>> -> memref<8x10240xf32, #tpu.memory_space<hbm>>
        tpu.wait_dma2 semaphore(%run_scoped3A : memref<!tpu.dma_semaphore, #tpu.memory_space<semaphore_mem>>) src(%dma_wait3A_115 : memref<8x10240xf32, #tpu.memory_space<hbm>>) dst(%arg6 : memref<8x10240xf32, #tpu.memory_space<vmem>>)
        tpu.yield
      }) : () -> ()
      %jit3A_49 = arith.constant 100000 : i32
      %div3A_50 = arith.divsi %multiple_of3A, %jit3A_49 : i32
      %sign3A_51 = arith.constant 0 : i32
      %sign3A_52 = arith.cmpi sgt, %multiple_of3A, %sign3A_51 : i32
      %sign3A_53 = arith.extui %sign3A_52 : i1 to i32
      %sign3A_54 = arith.constant 0 : i32
      %sign3A_55 = arith.cmpi slt, %multiple_of3A, %sign3A_54 : i32
      %sign3A_56 = arith.extui %sign3A_55 : i1 to i32
      %sign3A_57 = arith.subi %sign3A_53, %sign3A_56 : i32
      %sign3A_58 = arith.constant 0 : i32
      %sign3A_59 = arith.cmpi sgt, %jit3A_49, %sign3A_58 : i32
      %sign3A_60 = arith.extui %sign3A_59 : i1 to i32
      %sign3A_61 = arith.constant 0 : i32
      %sign3A_62 = arith.cmpi slt, %jit3A_49, %sign3A_61 : i32
      %sign3A_63 = arith.extui %sign3A_62 : i1 to i32
      %sign3A_64 = arith.subi %sign3A_60, %sign3A_63 : i32
      %ne3A_65 = arith.cmpi ne, %sign3A_57, %sign3A_64 : i32
      %rem3A_66 = arith.remsi %multiple_of3A, %jit3A_49 : i32
      %ne3A_67 = arith.constant 0 : i32
      %ne3A_68 = arith.cmpi ne, %rem3A_66, %ne3A_67 : i32
      %and3A_69 = arith.andi %ne3A_65, %ne3A_68 : i1
      %sub3A_70 = arith.constant 1 : i32
      %sub3A_71 = arith.subi %div3A_50, %sub3A_70 : i32
      %select_n3A_72 = arith.select %and3A_69, %sub3A_71, %div3A_50 : i32
      %add3A_73 = arith.constant 10240 : i32
      %add3A_74 = arith.addi %multiple_of3A, %add3A_73 : i32
      %sub3A_75 = arith.constant 1 : i32
      %sub3A_76 = arith.subi %add3A_74, %sub3A_75 : i32
      %jit3A_77 = arith.constant 100000 : i32
      %div3A_78 = arith.divsi %sub3A_76, %jit3A_77 : i32
      %sign3A_79 = arith.constant 0 : i32
      %sign3A_80 = arith.cmpi sgt, %sub3A_76, %sign3A_79 : i32
      %sign3A_81 = arith.extui %sign3A_80 : i1 to i32
      %sign3A_82 = arith.constant 0 : i32
      %sign3A_83 = arith.cmpi slt, %sub3A_76, %sign3A_82 : i32
      %sign3A_84 = arith.extui %sign3A_83 : i1 to i32
      %sign3A_85 = arith.subi %sign3A_81, %sign3A_84 : i32
      %sign3A_86 = arith.constant 0 : i32
      %sign3A_87 = arith.cmpi sgt, %jit3A_77, %sign3A_86 : i32
      %sign3A_88 = arith.extui %sign3A_87 : i1 to i32
      %sign3A_89 = arith.constant 0 : i32
      %sign3A_90 = arith.cmpi slt, %jit3A_77, %sign3A_89 : i32
      %sign3A_91 = arith.extui %sign3A_90 : i1 to i32
      %sign3A_92 = arith.subi %sign3A_88, %sign3A_91 : i32
      %ne3A_93 = arith.cmpi ne, %sign3A_85, %sign3A_92 : i32
      %rem3A_94 = arith.remsi %sub3A_76, %jit3A_77 : i32
      %ne3A_95 = arith.constant 0 : i32
      %ne3A_96 = arith.cmpi ne, %rem3A_94, %ne3A_95 : i32
      %and3A_97 = arith.andi %ne3A_93, %ne3A_96 : i1
      %sub3A_98 = arith.constant 1 : i32
      %sub3A_99 = arith.subi %div3A_78, %sub3A_98 : i32
      %select_n3A_100 = arith.select %and3A_97, %sub3A_99, %div3A_78 : i32
      %mul3A_101 = arith.constant 4096 : i32
      %mul3A_102 = arith.muli %select_n3A_72, %mul3A_101 : i32
      %multiple_of3A_103 = tpu.assume_multiple %mul3A_102, 8 : i32
      "tpu.region"() ({
        %run_scoped3A = tpu.sem_alloc : memref<!tpu.dma_semaphore, #tpu.memory_space<semaphore_mem>>
        %dma_start3A = tpu.memref_slice %arg3[%multiple_of3A_103] : memref<106496xi32, #tpu.memory_space<hbm>> -> memref<4096xi32, #tpu.memory_space<hbm>>
        %dma_start3A_114 = tpu.memref_slice %arg3[%multiple_of3A_103] : memref<106496xi32, #tpu.memory_space<hbm>> -> memref<4096xi32, #tpu.memory_space<hbm>>
        tpu.enqueue_dma source(%dma_start3A_114 : memref<4096xi32, #tpu.memory_space<hbm>>) target(%arg9 : memref<4096xi32, #tpu.memory_space<vmem>>) target_semaphore(%run_scoped3A : memref<!tpu.dma_semaphore, #tpu.memory_space<semaphore_mem>>)
        %dma_wait3A = tpu.memref_slice %arg3[%multiple_of3A_103] : memref<106496xi32, #tpu.memory_space<hbm>> -> memref<4096xi32, #tpu.memory_space<hbm>>
        %dma_wait3A_115 = tpu.memref_slice %arg3[%multiple_of3A_103] : memref<106496xi32, #tpu.memory_space<hbm>> -> memref<4096xi32, #tpu.memory_space<hbm>>
        tpu.wait_dma2 semaphore(%run_scoped3A : memref<!tpu.dma_semaphore, #tpu.memory_space<semaphore_mem>>) src(%dma_wait3A_115 : memref<4096xi32, #tpu.memory_space<hbm>>) dst(%arg9 : memref<4096xi32, #tpu.memory_space<vmem>>)
        tpu.yield
      }) : () -> ()
      %scan3A_104 = arith.constant 0 : i32
      %scan3A_105 = arith.constant 0 : i32
      %scan3A_106 = arith.constant 256 : i32
      %scan3A_107 = arith.addi %scan3A_105, %scan3A_106 : i32
      %scan3A_108 = arith.constant 1 : i32
      scf.for %scan3A_114 = %scan3A_105 to %scan3A_107 step %scan3A_108  : i32 {
        %mul3A_115 = arith.constant 16 : i32
        %mul3A_116 = arith.muli %scan3A_114, %mul3A_115 : i32
        %get3A = arith.index_cast %mul3A_116 : i32 to index
        %get3A_117 = tpu.vector_load %arg9[%get3A] {strides = array<i32>} : memref<4096xi32, #tpu.memory_space<vmem>>, vector<16xi32>,
        %sub3A_118 = vector.broadcast %multiple_of3A : i32 to vector<16xi32>
        %sub3A_119 = arith.subi %get3A_117, %sub3A_118 : vector<16xi32>
        %ge3A = arith.constant 0 : i32
        %ge3A_120 = vector.broadcast %ge3A : i32 to vector<16xi32>
        %ge3A_121 = arith.cmpi sge, %sub3A_119, %ge3A_120 : vector<16xi32>
        %lt3A = arith.constant 10240 : i32
        %lt3A_122 = vector.broadcast %lt3A : i32 to vector<16xi32>
        %lt3A_123 = arith.cmpi slt, %sub3A_119, %lt3A_122 : vector<16xi32>
        %and3A_124 = arith.andi %ge3A_121, %lt3A_123 : vector<16xi1>
        %reduce_or3A = arith.constant 1.000000e+00 : f32
        %reduce_or3A_125 = arith.constant 0.000000e+00 : f32
        %reduce_or3A_126 = vector.broadcast %reduce_or3A : f32 to vector<16xf32>
        %reduce_or3A_127 = vector.broadcast %reduce_or3A_125 : f32 to vector<16xf32>
        %reduce_or3A_128 = arith.select %and3A_124, %reduce_or3A_126, %reduce_or3A_127 : vector<16xi1>, vector<16xf32>
        %reduce_or3A_129 = arith.constant true
        %reduce_or3A_130 = vector.broadcast %reduce_or3A_129 : i1 to vector<16xi1>
        %reduce_or3A_131 = tpu.scan <max>, %reduce_or3A_128 masked %reduce_or3A_130 : vector<16xf32>, vector<16xi1> -> vector<16xf32>
        %reduce_or3A_132 = vector.extract %reduce_or3A_131[15] : f32 from vector<16xf32>
        %reduce_or3A_133 = arith.constant 0.000000e+00 : f32
        %reduce_or3A_134 = arith.cmpf ogt, %reduce_or3A_132, %reduce_or3A_133 : f32
        %convert_element_type3A_135 = arith.extui %reduce_or3A_134 : i1 to i32
        %cond3A_136 = arith.constant 0 : i32
        %cond3A_137 = arith.cmpi ne, %convert_element_type3A_135, %cond3A_136 : i32
        scf.if %cond3A_137 {
          %max3A = arith.constant 0 : i32
          %max3A_138 = vector.broadcast %max3A : i32 to vector<16xi32>
          %max3A_139 = arith.maxsi %sub3A_119, %max3A_138 : vector<16xi32>
          %min3A = arith.constant 10239 : i32
          %min3A_140 = vector.broadcast %min3A : i32 to vector<16xi32>
          %min3A_141 = arith.minsi %max3A_139, %min3A_140 : vector<16xi32>
          %get3A_142 = arith.index_cast %mul3A_116 : i32 to index
          %get3A_143 = tpu.vector_load %arg8[%get3A_142] {strides = array<i32>} : memref<4096xf32, #tpu.memory_space<vmem>>, vector<16xf32>,
          %broadcast_in_dim3A_144 = arith.constant 0 : i32
          %broadcast_in_dim3A_145 = vector.broadcast %broadcast_in_dim3A_144 : i32 to vector<16xi32>
          %gather3A = tpu.vector_load_idx %arg6[%broadcast_in_dim3A_145, %min3A_141] : memref<8x10240xf32, #tpu.memory_space<vmem>>[vector<16xi32>, vector<16xi32>], vector<16xf32>,
          %jit3A_146 = arith.constant 0.000000e+00 : f32
          %broadcast_in_dim3A_147 = vector.broadcast %jit3A_146 : f32 to vector<16xf32>
          %select_n3A_148 = arith.select %and3A_124, %gather3A, %broadcast_in_dim3A_147 : vector<16xi1>, vector<16xf32>
          %get3A_149 = arith.constant 0 : i32
          %get3A_150 = arith.index_cast %get3A_149 : i32 to index
          %get3A_151 = arith.index_cast %mul3A_116 : i32 to index
          %get3A_152 = tpu.vector_load %arg7[%get3A_150, %get3A_151] {strides = array<i32>} : memref<8x4096xf32, #tpu.memory_space<vmem>>, vector<16xf32>,
          %add3A_153 = arith.addf %get3A_152, %select_n3A_148 : vector<16xf32>
          %swap3A = arith.constant 0 : i32
          %swap3A_154 = arith.index_cast %swap3A : i32 to index
          %swap3A_155 = arith.index_cast %mul3A_116 : i32 to index
          %swap3A_156 = tpu.vector_load %arg7[%swap3A_154, %swap3A_155] {strides = array<i32>} : memref<8x4096xf32, #tpu.memory_space<vmem>>, vector<16xf32>,
          tpu.vector_store %arg7[%swap3A_154, %swap3A_155], %add3A_153 {strides = array<i32>} : memref<8x4096xf32, #tpu.memory_space<vmem>>, vector<16xf32>,
          %mul3A_157 = arith.mulf %select_n3A_148, %select_n3A_148 : vector<16xf32>
          %add3A_158 = arith.addf %get3A_143, %mul3A_157 : vector<16xf32>
          %broadcast_in_dim3A_159 = arith.constant 1 : i32
          %broadcast_in_dim3A_160 = vector.broadcast %broadcast_in_dim3A_159 : i32 to vector<16xi32>
          %gather3A_161 = tpu.vector_load_idx %arg6[%broadcast_in_dim3A_160, %min3A_141] : memref<8x10240xf32, #tpu.memory_space<vmem>>[vector<16xi32>, vector<16xi32>], vector<16xf32>,
          %jit3A_162 = arith.constant 0.000000e+00 : f32
          %broadcast_in_dim3A_163 = vector.broadcast %jit3A_162 : f32 to vector<16xf32>
          %select_n3A_164 = arith.select %and3A_124, %gather3A_161, %broadcast_in_dim3A_163 : vector<16xi1>, vector<16xf32>
          %get3A_165 = arith.constant 1 : i32
          %get3A_166 = arith.index_cast %get3A_165 : i32 to index
          %get3A_167 = arith.index_cast %mul3A_116 : i32 to index
          %get3A_168 = tpu.vector_load %arg7[%get3A_166, %get3A_167] {strides = array<i32>} : memref<8x4096xf32, #tpu.memory_space<vmem>>, vector<16xf32>,
          %add3A_169 = arith.addf %get3A_168, %select_n3A_164 : vector<16xf32>
          %swap3A_170 = arith.constant 1 : i32
          %swap3A_171 = arith.index_cast %swap3A_170 : i32 to index
          %swap3A_172 = arith.index_cast %mul3A_116 : i32 to index
          %swap3A_173 = tpu.vector_load %arg7[%swap3A_171, %swap3A_172] {strides = array<i32>} : memref<8x4096xf32, #tpu.memory_space<vmem>>, vector<16xf32>,
          tpu.vector_store %arg7[%swap3A_171, %swap3A_172], %add3A_169 {strides = array<i32>} : memref<8x4096xf32, #tpu.memory_space<vmem>>, vector<16xf32>,
          %mul3A_174 = arith.mulf %select_n3A_164, %select_n3A_164 : vector<16xf32>
          %add3A_175 = arith.addf %add3A_158, %mul3A_174 : vector<16xf32>
          %broadcast_in_dim3A_176 = arith.constant 2 : i32
          %broadcast_in_dim3A_177 = vector.broadcast %broadcast_in_dim3A_176 : i32 to vector<16xi32>
          %gather3A_178 = tpu.vector_load_idx %arg6[%broadcast_in_dim3A_177, %min3A_141] : memref<8x10240xf32, #tpu.memory_space<vmem>>[vector<16xi32>, vector<16xi32>], vector<16xf32>,
          %jit3A_179 = arith.constant 0.000000e+00 : f32
          %broadcast_in_dim3A_180 = vector.broadcast %jit3A_179 : f32 to vector<16xf32>
          %select_n3A_181 = arith.select %and3A_124, %gather3A_178, %broadcast_in_dim3A_180 : vector<16xi1>, vector<16xf32>
          %get3A_182 = arith.constant 2 : i32
          %get3A_183 = arith.index_cast %get3A_182 : i32 to index
          %get3A_184 = arith.index_cast %mul3A_116 : i32 to index
          %get3A_185 = tpu.vector_load %arg7[%get3A_183, %get3A_184] {strides = array<i32>} : memref<8x4096xf32, #tpu.memory_space<vmem>>, vector<16xf32>,
          %add3A_186 = arith.addf %get3A_185, %select_n3A_181 : vector<16xf32>
          %swap3A_187 = arith.constant 2 : i32
          %swap3A_188 = arith.index_cast %swap3A_187 : i32 to index
          %swap3A_189 = arith.index_cast %mul3A_116 : i32 to index
          %swap3A_190 = tpu.vector_load %arg7[%swap3A_188, %swap3A_189] {strides = array<i32>} : memref<8x4096xf32, #tpu.memory_space<vmem>>, vector<16xf32>,
          tpu.vector_store %arg7[%swap3A_188, %swap3A_189], %add3A_186 {strides = array<i32>} : memref<8x4096xf32, #tpu.memory_space<vmem>>, vector<16xf32>,
          %mul3A_191 = arith.mulf %select_n3A_181, %select_n3A_181 : vector<16xf32>
          %add3A_192 = arith.addf %add3A_175, %mul3A_191 : vector<16xf32>
          %broadcast_in_dim3A_193 = arith.constant 3 : i32
          %broadcast_in_dim3A_194 = vector.broadcast %broadcast_in_dim3A_193 : i32 to vector<16xi32>
          %gather3A_195 = tpu.vector_load_idx %arg6[%broadcast_in_dim3A_194, %min3A_141] : memref<8x10240xf32, #tpu.memory_space<vmem>>[vector<16xi32>, vector<16xi32>], vector<16xf32>,
          %jit3A_196 = arith.constant 0.000000e+00 : f32
          %broadcast_in_dim3A_197 = vector.broadcast %jit3A_196 : f32 to vector<16xf32>
          %select_n3A_198 = arith.select %and3A_124, %gather3A_195, %broadcast_in_dim3A_197 : vector<16xi1>, vector<16xf32>
          %get3A_199 = arith.constant 3 : i32
          %get3A_200 = arith.index_cast %get3A_199 : i32 to index
          %get3A_201 = arith.index_cast %mul3A_116 : i32 to index
          %get3A_202 = tpu.vector_load %arg7[%get3A_200, %get3A_201] {strides = array<i32>} : memref<8x4096xf32, #tpu.memory_space<vmem>>, vector<16xf32>,
          %add3A_203 = arith.addf %get3A_202, %select_n3A_198 : vector<16xf32>
          %swap3A_204 = arith.constant 3 : i32
          %swap3A_205 = arith.index_cast %swap3A_204 : i32 to index
          %swap3A_206 = arith.index_cast %mul3A_116 : i32 to index
          %swap3A_207 = tpu.vector_load %arg7[%swap3A_205, %swap3A_206] {strides = array<i32>} : memref<8x4096xf32, #tpu.memory_space<vmem>>, vector<16xf32>,
          tpu.vector_store %arg7[%swap3A_205, %swap3A_206], %add3A_203 {strides = array<i32>} : memref<8x4096xf32, #tpu.memory_space<vmem>>, vector<16xf32>,
          %mul3A_208 = arith.mulf %select_n3A_198, %select_n3A_198 : vector<16xf32>
          %add3A_209 = arith.addf %add3A_192, %mul3A_208 : vector<16xf32>
          %broadcast_in_dim3A_210 = arith.constant 4 : i32
          %broadcast_in_dim3A_211 = vector.broadcast %broadcast_in_dim3A_210 : i32 to vector<16xi32>
          %gather3A_212 = tpu.vector_load_idx %arg6[%broadcast_in_dim3A_211, %min3A_141] : memref<8x10240xf32, #tpu.memory_space<vmem>>[vector<16xi32>, vector<16xi32>], vector<16xf32>,
          %jit3A_213 = arith.constant 0.000000e+00 : f32
          %broadcast_in_dim3A_214 = vector.broadcast %jit3A_213 : f32 to vector<16xf32>
          %select_n3A_215 = arith.select %and3A_124, %gather3A_212, %broadcast_in_dim3A_214 : vector<16xi1>, vector<16xf32>
          %get3A_216 = arith.constant 4 : i32
          %get3A_217 = arith.index_cast %get3A_216 : i32 to index
          %get3A_218 = arith.index_cast %mul3A_116 : i32 to index
          %get3A_219 = tpu.vector_load %arg7[%get3A_217, %get3A_218] {strides = array<i32>} : memref<8x4096xf32, #tpu.memory_space<vmem>>, vector<16xf32>,
          %add3A_220 = arith.addf %get3A_219, %select_n3A_215 : vector<16xf32>
          %swap3A_221 = arith.constant 4 : i32
          %swap3A_222 = arith.index_cast %swap3A_221 : i32 to index
          %swap3A_223 = arith.index_cast %mul3A_116 : i32 to index
          %swap3A_224 = tpu.vector_load %arg7[%swap3A_222, %swap3A_223] {strides = array<i32>} : memref<8x4096xf32, #tpu.memory_space<vmem>>, vector<16xf32>,
          tpu.vector_store %arg7[%swap3A_222, %swap3A_223], %add3A_220 {strides = array<i32>} : memref<8x4096xf32, #tpu.memory_space<vmem>>, vector<16xf32>,
          %mul3A_225 = arith.mulf %select_n3A_215, %select_n3A_215 : vector<16xf32>
          %add3A_226 = arith.addf %add3A_209, %mul3A_225 : vector<16xf32>
          %broadcast_in_dim3A_227 = arith.constant 5 : i32
          %broadcast_in_dim3A_228 = vector.broadcast %broadcast_in_dim3A_227 : i32 to vector<16xi32>
          %gather3A_229 = tpu.vector_load_idx %arg6[%broadcast_in_dim3A_228, %min3A_141] : memref<8x10240xf32, #tpu.memory_space<vmem>>[vector<16xi32>, vector<16xi32>], vector<16xf32>,
          %jit3A_230 = arith.constant 0.000000e+00 : f32
          %broadcast_in_dim3A_231 = vector.broadcast %jit3A_230 : f32 to vector<16xf32>
          %select_n3A_232 = arith.select %and3A_124, %gather3A_229, %broadcast_in_dim3A_231 : vector<16xi1>, vector<16xf32>
          %get3A_233 = arith.constant 5 : i32
          %get3A_234 = arith.index_cast %get3A_233 : i32 to index
          %get3A_235 = arith.index_cast %mul3A_116 : i32 to index
          %get3A_236 = tpu.vector_load %arg7[%get3A_234, %get3A_235] {strides = array<i32>} : memref<8x4096xf32, #tpu.memory_space<vmem>>, vector<16xf32>,
          %add3A_237 = arith.addf %get3A_236, %select_n3A_232 : vector<16xf32>
          %swap3A_238 = arith.constant 5 : i32
          %swap3A_239 = arith.index_cast %swap3A_238 : i32 to index
          %swap3A_240 = arith.index_cast %mul3A_116 : i32 to index
          %swap3A_241 = tpu.vector_load %arg7[%swap3A_239, %swap3A_240] {strides = array<i32>} : memref<8x4096xf32, #tpu.memory_space<vmem>>, vector<16xf32>,
          tpu.vector_store %arg7[%swap3A_239, %swap3A_240], %add3A_237 {strides = array<i32>} : memref<8x4096xf32, #tpu.memory_space<vmem>>, vector<16xf32>,
          %mul3A_242 = arith.mulf %select_n3A_232, %select_n3A_232 : vector<16xf32>
          %add3A_243 = arith.addf %add3A_226, %mul3A_242 : vector<16xf32>
          %broadcast_in_dim3A_244 = arith.constant 6 : i32
          %broadcast_in_dim3A_245 = vector.broadcast %broadcast_in_dim3A_244 : i32 to vector<16xi32>
          %gather3A_246 = tpu.vector_load_idx %arg6[%broadcast_in_dim3A_245, %min3A_141] : memref<8x10240xf32, #tpu.memory_space<vmem>>[vector<16xi32>, vector<16xi32>], vector<16xf32>,
          %jit3A_247 = arith.constant 0.000000e+00 : f32
          %broadcast_in_dim3A_248 = vector.broadcast %jit3A_247 : f32 to vector<16xf32>
          %select_n3A_249 = arith.select %and3A_124, %gather3A_246, %broadcast_in_dim3A_248 : vector<16xi1>, vector<16xf32>
          %get3A_250 = arith.constant 6 : i32
          %get3A_251 = arith.index_cast %get3A_250 : i32 to index
          %get3A_252 = arith.index_cast %mul3A_116 : i32 to index
          %get3A_253 = tpu.vector_load %arg7[%get3A_251, %get3A_252] {strides = array<i32>} : memref<8x4096xf32, #tpu.memory_space<vmem>>, vector<16xf32>,
          %add3A_254 = arith.addf %get3A_253, %select_n3A_249 : vector<16xf32>
          %swap3A_255 = arith.constant 6 : i32
          %swap3A_256 = arith.index_cast %swap3A_255 : i32 to index
          %swap3A_257 = arith.index_cast %mul3A_116 : i32 to index
          %swap3A_258 = tpu.vector_load %arg7[%swap3A_256, %swap3A_257] {strides = array<i32>} : memref<8x4096xf32, #tpu.memory_space<vmem>>, vector<16xf32>,
          tpu.vector_store %arg7[%swap3A_256, %swap3A_257], %add3A_254 {strides = array<i32>} : memref<8x4096xf32, #tpu.memory_space<vmem>>, vector<16xf32>,
          %mul3A_259 = arith.mulf %select_n3A_249, %select_n3A_249 : vector<16xf32>
          %add3A_260 = arith.addf %add3A_243, %mul3A_259 : vector<16xf32>
          %broadcast_in_dim3A_261 = arith.constant 7 : i32
          %broadcast_in_dim3A_262 = vector.broadcast %broadcast_in_dim3A_261 : i32 to vector<16xi32>
          %gather3A_263 = tpu.vector_load_idx %arg6[%broadcast_in_dim3A_262, %min3A_141] : memref<8x10240xf32, #tpu.memory_space<vmem>>[vector<16xi32>, vector<16xi32>], vector<16xf32>,
          %jit3A_264 = arith.constant 0.000000e+00 : f32
          %broadcast_in_dim3A_265 = vector.broadcast %jit3A_264 : f32 to vector<16xf32>
          %select_n3A_266 = arith.select %and3A_124, %gather3A_263, %broadcast_in_dim3A_265 : vector<16xi1>, vector<16xf32>
          %get3A_267 = arith.constant 7 : i32
          %get3A_268 = arith.index_cast %get3A_267 : i32 to index
          %get3A_269 = arith.index_cast %mul3A_116 : i32 to index
          %get3A_270 = tpu.vector_load %arg7[%get3A_268, %get3A_269] {strides = array<i32>} : memref<8x4096xf32, #tpu.memory_space<vmem>>, vector<16xf32>,
          %add3A_271 = arith.addf %get3A_270, %select_n3A_266 : vector<16xf32>
          %swap3A_272 = arith.constant 7 : i32
          %swap3A_273 = arith.index_cast %swap3A_272 : i32 to index
          %swap3A_274 = arith.index_cast %mul3A_116 : i32 to index
          %swap3A_275 = tpu.vector_load %arg7[%swap3A_273, %swap3A_274] {strides = array<i32>} : memref<8x4096xf32, #tpu.memory_space<vmem>>, vector<16xf32>,
          tpu.vector_store %arg7[%swap3A_273, %swap3A_274], %add3A_271 {strides = array<i32>} : memref<8x4096xf32, #tpu.memory_space<vmem>>, vector<16xf32>,
          %mul3A_276 = arith.mulf %select_n3A_266, %select_n3A_266 : vector<16xf32>
          %add3A_277 = arith.addf %add3A_260, %mul3A_276 : vector<16xf32>
          %swap3A_278 = arith.index_cast %mul3A_116 : i32 to index
          %swap3A_279 = tpu.vector_load %arg8[%swap3A_278] {strides = array<i32>} : memref<4096xf32, #tpu.memory_space<vmem>>, vector<16xf32>,
          tpu.vector_store %arg8[%swap3A_278], %add3A_277 {strides = array<i32>} : memref<4096xf32, #tpu.memory_space<vmem>>, vector<16xf32>,
        } else {
        }
      }
      %scan3A_109 = arith.constant 256 : i32
      %ne3A_110 = arith.cmpi ne, %select_n3A_100, %select_n3A_72 : i32
      %convert_element_type3A_111 = arith.extui %ne3A_110 : i1 to i32
      %cond3A_112 = arith.constant 0 : i32
      %cond3A_113 = arith.cmpi ne, %convert_element_type3A_111, %cond3A_112 : i32
      scf.if %cond3A_113 {
        %mul3A_114 = arith.constant 4096 : i32
        %mul3A_115 = arith.muli %select_n3A_100, %mul3A_114 : i32
        %multiple_of3A_116 = tpu.assume_multiple %mul3A_115, 8 : i32
        "tpu.region"() ({
          %run_scoped3A = tpu.sem_alloc : memref<!tpu.dma_semaphore, #tpu.memory_space<semaphore_mem>>
          %dma_start3A = tpu.memref_slice %arg3[%multiple_of3A_116] : memref<106496xi32, #tpu.memory_space<hbm>> -> memref<4096xi32, #tpu.memory_space<hbm>>
          %dma_start3A_123 = tpu.memref_slice %arg3[%multiple_of3A_116] : memref<106496xi32, #tpu.memory_space<hbm>> -> memref<4096xi32, #tpu.memory_space<hbm>>
          tpu.enqueue_dma source(%dma_start3A_123 : memref<4096xi32, #tpu.memory_space<hbm>>) target(%arg9 : memref<4096xi32, #tpu.memory_space<vmem>>) target_semaphore(%run_scoped3A : memref<!tpu.dma_semaphore, #tpu.memory_space<semaphore_mem>>)
          %dma_wait3A = tpu.memref_slice %arg3[%multiple_of3A_116] : memref<106496xi32, #tpu.memory_space<hbm>> -> memref<4096xi32, #tpu.memory_space<hbm>>
          %dma_wait3A_124 = tpu.memref_slice %arg3[%multiple_of3A_116] : memref<106496xi32, #tpu.memory_space<hbm>> -> memref<4096xi32, #tpu.memory_space<hbm>>
          tpu.wait_dma2 semaphore(%run_scoped3A : memref<!tpu.dma_semaphore, #tpu.memory_space<semaphore_mem>>) src(%dma_wait3A_124 : memref<4096xi32, #tpu.memory_space<hbm>>) dst(%arg9 : memref<4096xi32, #tpu.memory_space<vmem>>)
          tpu.yield
        }) : () -> ()
        %scan3A_117 = arith.constant 0 : i32
        %scan3A_118 = arith.constant 0 : i32
        %scan3A_119 = arith.constant 256 : i32
        %scan3A_120 = arith.addi %scan3A_118, %scan3A_119 : i32
        %scan3A_121 = arith.constant 1 : i32
        scf.for %scan3A_123 = %scan3A_118 to %scan3A_120 step %scan3A_121  : i32 {
          %mul3A_124 = arith.constant 16 : i32
          %mul3A_125 = arith.muli %scan3A_123, %mul3A_124 : i32
          %get3A = arith.index_cast %mul3A_125 : i32 to index
          %get3A_126 = tpu.vector_load %arg9[%get3A] {strides = array<i32>} : memref<4096xi32, #tpu.memory_space<vmem>>, vector<16xi32>,
          %sub3A_127 = vector.broadcast %multiple_of3A : i32 to vector<16xi32>
          %sub3A_128 = arith.subi %get3A_126, %sub3A_127 : vector<16xi32>
          %ge3A = arith.constant 0 : i32
          %ge3A_129 = vector.broadcast %ge3A : i32 to vector<16xi32>
          %ge3A_130 = arith.cmpi sge, %sub3A_128, %ge3A_129 : vector<16xi32>
          %lt3A = arith.constant 10240 : i32
          %lt3A_131 = vector.broadcast %lt3A : i32 to vector<16xi32>
          %lt3A_132 = arith.cmpi slt, %sub3A_128, %lt3A_131 : vector<16xi32>
          %and3A_133 = arith.andi %ge3A_130, %lt3A_132 : vector<16xi1>
          %reduce_or3A = arith.constant 1.000000e+00 : f32
          %reduce_or3A_134 = arith.constant 0.000000e+00 : f32
          %reduce_or3A_135 = vector.broadcast %reduce_or3A : f32 to vector<16xf32>
          %reduce_or3A_136 = vector.broadcast %reduce_or3A_134 : f32 to vector<16xf32>
          %reduce_or3A_137 = arith.select %and3A_133, %reduce_or3A_135, %reduce_or3A_136 : vector<16xi1>, vector<16xf32>
          %reduce_or3A_138 = arith.constant true
          %reduce_or3A_139 = vector.broadcast %reduce_or3A_138 : i1 to vector<16xi1>
          %reduce_or3A_140 = tpu.scan <max>, %reduce_or3A_137 masked %reduce_or3A_139 : vector<16xf32>, vector<16xi1> -> vector<16xf32>
          %reduce_or3A_141 = vector.extract %reduce_or3A_140[15] : f32 from vector<16xf32>
          %reduce_or3A_142 = arith.constant 0.000000e+00 : f32
          %reduce_or3A_143 = arith.cmpf ogt, %reduce_or3A_141, %reduce_or3A_142 : f32
          %convert_element_type3A_144 = arith.extui %reduce_or3A_143 : i1 to i32
          %cond3A_145 = arith.constant 0 : i32
          %cond3A_146 = arith.cmpi ne, %convert_element_type3A_144, %cond3A_145 : i32
          scf.if %cond3A_146 {
            %max3A = arith.constant 0 : i32
            %max3A_147 = vector.broadcast %max3A : i32 to vector<16xi32>
            %max3A_148 = arith.maxsi %sub3A_128, %max3A_147 : vector<16xi32>
            %min3A = arith.constant 10239 : i32
            %min3A_149 = vector.broadcast %min3A : i32 to vector<16xi32>
            %min3A_150 = arith.minsi %max3A_148, %min3A_149 : vector<16xi32>
            %get3A_151 = arith.index_cast %mul3A_125 : i32 to index
            %get3A_152 = tpu.vector_load %arg8[%get3A_151] {strides = array<i32>} : memref<4096xf32, #tpu.memory_space<vmem>>, vector<16xf32>,
            %broadcast_in_dim3A_153 = arith.constant 0 : i32
            %broadcast_in_dim3A_154 = vector.broadcast %broadcast_in_dim3A_153 : i32 to vector<16xi32>
            %gather3A = tpu.vector_load_idx %arg6[%broadcast_in_dim3A_154, %min3A_150] : memref<8x10240xf32, #tpu.memory_space<vmem>>[vector<16xi32>, vector<16xi32>], vector<16xf32>,
            %jit3A_155 = arith.constant 0.000000e+00 : f32
            %broadcast_in_dim3A_156 = vector.broadcast %jit3A_155 : f32 to vector<16xf32>
            %select_n3A_157 = arith.select %and3A_133, %gather3A, %broadcast_in_dim3A_156 : vector<16xi1>, vector<16xf32>
            %get3A_158 = arith.constant 0 : i32
            %get3A_159 = arith.index_cast %get3A_158 : i32 to index
            %get3A_160 = arith.index_cast %mul3A_125 : i32 to index
            %get3A_161 = tpu.vector_load %arg7[%get3A_159, %get3A_160] {strides = array<i32>} : memref<8x4096xf32, #tpu.memory_space<vmem>>, vector<16xf32>,
            %add3A_162 = arith.addf %get3A_161, %select_n3A_157 : vector<16xf32>
            %swap3A = arith.constant 0 : i32
            %swap3A_163 = arith.index_cast %swap3A : i32 to index
            %swap3A_164 = arith.index_cast %mul3A_125 : i32 to index
            %swap3A_165 = tpu.vector_load %arg7[%swap3A_163, %swap3A_164] {strides = array<i32>} : memref<8x4096xf32, #tpu.memory_space<vmem>>, vector<16xf32>,
            tpu.vector_store %arg7[%swap3A_163, %swap3A_164], %add3A_162 {strides = array<i32>} : memref<8x4096xf32, #tpu.memory_space<vmem>>, vector<16xf32>,
            %mul3A_166 = arith.mulf %select_n3A_157, %select_n3A_157 : vector<16xf32>
            %add3A_167 = arith.addf %get3A_152, %mul3A_166 : vector<16xf32>
            %broadcast_in_dim3A_168 = arith.constant 1 : i32
            %broadcast_in_dim3A_169 = vector.broadcast %broadcast_in_dim3A_168 : i32 to vector<16xi32>
            %gather3A_170 = tpu.vector_load_idx %arg6[%broadcast_in_dim3A_169, %min3A_150] : memref<8x10240xf32, #tpu.memory_space<vmem>>[vector<16xi32>, vector<16xi32>], vector<16xf32>,
            %jit3A_171 = arith.constant 0.000000e+00 : f32
            %broadcast_in_dim3A_172 = vector.broadcast %jit3A_171 : f32 to vector<16xf32>
            %select_n3A_173 = arith.select %and3A_133, %gather3A_170, %broadcast_in_dim3A_172 : vector<16xi1>, vector<16xf32>
            %get3A_174 = arith.constant 1 : i32
            %get3A_175 = arith.index_cast %get3A_174 : i32 to index
            %get3A_176 = arith.index_cast %mul3A_125 : i32 to index
            %get3A_177 = tpu.vector_load %arg7[%get3A_175, %get3A_176] {strides = array<i32>} : memref<8x4096xf32, #tpu.memory_space<vmem>>, vector<16xf32>,
            %add3A_178 = arith.addf %get3A_177, %select_n3A_173 : vector<16xf32>
            %swap3A_179 = arith.constant 1 : i32
            %swap3A_180 = arith.index_cast %swap3A_179 : i32 to index
            %swap3A_181 = arith.index_cast %mul3A_125 : i32 to index
            %swap3A_182 = tpu.vector_load %arg7[%swap3A_180, %swap3A_181] {strides = array<i32>} : memref<8x4096xf32, #tpu.memory_space<vmem>>, vector<16xf32>,
            tpu.vector_store %arg7[%swap3A_180, %swap3A_181], %add3A_178 {strides = array<i32>} : memref<8x4096xf32, #tpu.memory_space<vmem>>, vector<16xf32>,
            %mul3A_183 = arith.mulf %select_n3A_173, %select_n3A_173 : vector<16xf32>
            %add3A_184 = arith.addf %add3A_167, %mul3A_183 : vector<16xf32>
            %broadcast_in_dim3A_185 = arith.constant 2 : i32
            %broadcast_in_dim3A_186 = vector.broadcast %broadcast_in_dim3A_185 : i32 to vector<16xi32>
            %gather3A_187 = tpu.vector_load_idx %arg6[%broadcast_in_dim3A_186, %min3A_150] : memref<8x10240xf32, #tpu.memory_space<vmem>>[vector<16xi32>, vector<16xi32>], vector<16xf32>,
            %jit3A_188 = arith.constant 0.000000e+00 : f32
            %broadcast_in_dim3A_189 = vector.broadcast %jit3A_188 : f32 to vector<16xf32>
            %select_n3A_190 = arith.select %and3A_133, %gather3A_187, %broadcast_in_dim3A_189 : vector<16xi1>, vector<16xf32>
            %get3A_191 = arith.constant 2 : i32
            %get3A_192 = arith.index_cast %get3A_191 : i32 to index
            %get3A_193 = arith.index_cast %mul3A_125 : i32 to index
            %get3A_194 = tpu.vector_load %arg7[%get3A_192, %get3A_193] {strides = array<i32>} : memref<8x4096xf32, #tpu.memory_space<vmem>>, vector<16xf32>,
            %add3A_195 = arith.addf %get3A_194, %select_n3A_190 : vector<16xf32>
            %swap3A_196 = arith.constant 2 : i32
            %swap3A_197 = arith.index_cast %swap3A_196 : i32 to index
            %swap3A_198 = arith.index_cast %mul3A_125 : i32 to index
            %swap3A_199 = tpu.vector_load %arg7[%swap3A_197, %swap3A_198] {strides = array<i32>} : memref<8x4096xf32, #tpu.memory_space<vmem>>, vector<16xf32>,
            tpu.vector_store %arg7[%swap3A_197, %swap3A_198], %add3A_195 {strides = array<i32>} : memref<8x4096xf32, #tpu.memory_space<vmem>>, vector<16xf32>,
            %mul3A_200 = arith.mulf %select_n3A_190, %select_n3A_190 : vector<16xf32>
            %add3A_201 = arith.addf %add3A_184, %mul3A_200 : vector<16xf32>
            %broadcast_in_dim3A_202 = arith.constant 3 : i32
            %broadcast_in_dim3A_203 = vector.broadcast %broadcast_in_dim3A_202 : i32 to vector<16xi32>
            %gather3A_204 = tpu.vector_load_idx %arg6[%broadcast_in_dim3A_203, %min3A_150] : memref<8x10240xf32, #tpu.memory_space<vmem>>[vector<16xi32>, vector<16xi32>], vector<16xf32>,
            %jit3A_205 = arith.constant 0.000000e+00 : f32
            %broadcast_in_dim3A_206 = vector.broadcast %jit3A_205 : f32 to vector<16xf32>
            %select_n3A_207 = arith.select %and3A_133, %gather3A_204, %broadcast_in_dim3A_206 : vector<16xi1>, vector<16xf32>
            %get3A_208 = arith.constant 3 : i32
            %get3A_209 = arith.index_cast %get3A_208 : i32 to index
            %get3A_210 = arith.index_cast %mul3A_125 : i32 to index
            %get3A_211 = tpu.vector_load %arg7[%get3A_209, %get3A_210] {strides = array<i32>} : memref<8x4096xf32, #tpu.memory_space<vmem>>, vector<16xf32>,
            %add3A_212 = arith.addf %get3A_211, %select_n3A_207 : vector<16xf32>
            %swap3A_213 = arith.constant 3 : i32
            %swap3A_214 = arith.index_cast %swap3A_213 : i32 to index
            %swap3A_215 = arith.index_cast %mul3A_125 : i32 to index
            %swap3A_216 = tpu.vector_load %arg7[%swap3A_214, %swap3A_215] {strides = array<i32>} : memref<8x4096xf32, #tpu.memory_space<vmem>>, vector<16xf32>,
            tpu.vector_store %arg7[%swap3A_214, %swap3A_215], %add3A_212 {strides = array<i32>} : memref<8x4096xf32, #tpu.memory_space<vmem>>, vector<16xf32>,
            %mul3A_217 = arith.mulf %select_n3A_207, %select_n3A_207 : vector<16xf32>
            %add3A_218 = arith.addf %add3A_201, %mul3A_217 : vector<16xf32>
            %broadcast_in_dim3A_219 = arith.constant 4 : i32
            %broadcast_in_dim3A_220 = vector.broadcast %broadcast_in_dim3A_219 : i32 to vector<16xi32>
            %gather3A_221 = tpu.vector_load_idx %arg6[%broadcast_in_dim3A_220, %min3A_150] : memref<8x10240xf32, #tpu.memory_space<vmem>>[vector<16xi32>, vector<16xi32>], vector<16xf32>,
            %jit3A_222 = arith.constant 0.000000e+00 : f32
            %broadcast_in_dim3A_223 = vector.broadcast %jit3A_222 : f32 to vector<16xf32>
            %select_n3A_224 = arith.select %and3A_133, %gather3A_221, %broadcast_in_dim3A_223 : vector<16xi1>, vector<16xf32>
            %get3A_225 = arith.constant 4 : i32
            %get3A_226 = arith.index_cast %get3A_225 : i32 to index
            %get3A_227 = arith.index_cast %mul3A_125 : i32 to index
            %get3A_228 = tpu.vector_load %arg7[%get3A_226, %get3A_227] {strides = array<i32>} : memref<8x4096xf32, #tpu.memory_space<vmem>>, vector<16xf32>,
            %add3A_229 = arith.addf %get3A_228, %select_n3A_224 : vector<16xf32>
            %swap3A_230 = arith.constant 4 : i32
            %swap3A_231 = arith.index_cast %swap3A_230 : i32 to index
            %swap3A_232 = arith.index_cast %mul3A_125 : i32 to index
            %swap3A_233 = tpu.vector_load %arg7[%swap3A_231, %swap3A_232] {strides = array<i32>} : memref<8x4096xf32, #tpu.memory_space<vmem>>, vector<16xf32>,
            tpu.vector_store %arg7[%swap3A_231, %swap3A_232], %add3A_229 {strides = array<i32>} : memref<8x4096xf32, #tpu.memory_space<vmem>>, vector<16xf32>,
            %mul3A_234 = arith.mulf %select_n3A_224, %select_n3A_224 : vector<16xf32>
            %add3A_235 = arith.addf %add3A_218, %mul3A_234 : vector<16xf32>
            %broadcast_in_dim3A_236 = arith.constant 5 : i32
            %broadcast_in_dim3A_237 = vector.broadcast %broadcast_in_dim3A_236 : i32 to vector<16xi32>
            %gather3A_238 = tpu.vector_load_idx %arg6[%broadcast_in_dim3A_237, %min3A_150] : memref<8x10240xf32, #tpu.memory_space<vmem>>[vector<16xi32>, vector<16xi32>], vector<16xf32>,
            %jit3A_239 = arith.constant 0.000000e+00 : f32
            %broadcast_in_dim3A_240 = vector.broadcast %jit3A_239 : f32 to vector<16xf32>
            %select_n3A_241 = arith.select %and3A_133, %gather3A_238, %broadcast_in_dim3A_240 : vector<16xi1>, vector<16xf32>
            %get3A_242 = arith.constant 5 : i32
            %get3A_243 = arith.index_cast %get3A_242 : i32 to index
            %get3A_244 = arith.index_cast %mul3A_125 : i32 to index
            %get3A_245 = tpu.vector_load %arg7[%get3A_243, %get3A_244] {strides = array<i32>} : memref<8x4096xf32, #tpu.memory_space<vmem>>, vector<16xf32>,
            %add3A_246 = arith.addf %get3A_245, %select_n3A_241 : vector<16xf32>
            %swap3A_247 = arith.constant 5 : i32
            %swap3A_248 = arith.index_cast %swap3A_247 : i32 to index
            %swap3A_249 = arith.index_cast %mul3A_125 : i32 to index
            %swap3A_250 = tpu.vector_load %arg7[%swap3A_248, %swap3A_249] {strides = array<i32>} : memref<8x4096xf32, #tpu.memory_space<vmem>>, vector<16xf32>,
            tpu.vector_store %arg7[%swap3A_248, %swap3A_249], %add3A_246 {strides = array<i32>} : memref<8x4096xf32, #tpu.memory_space<vmem>>, vector<16xf32>,
            %mul3A_251 = arith.mulf %select_n3A_241, %select_n3A_241 : vector<16xf32>
            %add3A_252 = arith.addf %add3A_235, %mul3A_251 : vector<16xf32>
            %broadcast_in_dim3A_253 = arith.constant 6 : i32
            %broadcast_in_dim3A_254 = vector.broadcast %broadcast_in_dim3A_253 : i32 to vector<16xi32>
            %gather3A_255 = tpu.vector_load_idx %arg6[%broadcast_in_dim3A_254, %min3A_150] : memref<8x10240xf32, #tpu.memory_space<vmem>>[vector<16xi32>, vector<16xi32>], vector<16xf32>,
            %jit3A_256 = arith.constant 0.000000e+00 : f32
            %broadcast_in_dim3A_257 = vector.broadcast %jit3A_256 : f32 to vector<16xf32>
            %select_n3A_258 = arith.select %and3A_133, %gather3A_255, %broadcast_in_dim3A_257 : vector<16xi1>, vector<16xf32>
            %get3A_259 = arith.constant 6 : i32
            %get3A_260 = arith.index_cast %get3A_259 : i32 to index
            %get3A_261 = arith.index_cast %mul3A_125 : i32 to index
            %get3A_262 = tpu.vector_load %arg7[%get3A_260, %get3A_261] {strides = array<i32>} : memref<8x4096xf32, #tpu.memory_space<vmem>>, vector<16xf32>,
            %add3A_263 = arith.addf %get3A_262, %select_n3A_258 : vector<16xf32>
            %swap3A_264 = arith.constant 6 : i32
            %swap3A_265 = arith.index_cast %swap3A_264 : i32 to index
            %swap3A_266 = arith.index_cast %mul3A_125 : i32 to index
            %swap3A_267 = tpu.vector_load %arg7[%swap3A_265, %swap3A_266] {strides = array<i32>} : memref<8x4096xf32, #tpu.memory_space<vmem>>, vector<16xf32>,
            tpu.vector_store %arg7[%swap3A_265, %swap3A_266], %add3A_263 {strides = array<i32>} : memref<8x4096xf32, #tpu.memory_space<vmem>>, vector<16xf32>,
            %mul3A_268 = arith.mulf %select_n3A_258, %select_n3A_258 : vector<16xf32>
            %add3A_269 = arith.addf %add3A_252, %mul3A_268 : vector<16xf32>
            %broadcast_in_dim3A_270 = arith.constant 7 : i32
            %broadcast_in_dim3A_271 = vector.broadcast %broadcast_in_dim3A_270 : i32 to vector<16xi32>
            %gather3A_272 = tpu.vector_load_idx %arg6[%broadcast_in_dim3A_271, %min3A_150] : memref<8x10240xf32, #tpu.memory_space<vmem>>[vector<16xi32>, vector<16xi32>], vector<16xf32>,
            %jit3A_273 = arith.constant 0.000000e+00 : f32
            %broadcast_in_dim3A_274 = vector.broadcast %jit3A_273 : f32 to vector<16xf32>
            %select_n3A_275 = arith.select %and3A_133, %gather3A_272, %broadcast_in_dim3A_274 : vector<16xi1>, vector<16xf32>
            %get3A_276 = arith.constant 7 : i32
            %get3A_277 = arith.index_cast %get3A_276 : i32 to index
            %get3A_278 = arith.index_cast %mul3A_125 : i32 to index
            %get3A_279 = tpu.vector_load %arg7[%get3A_277, %get3A_278] {strides = array<i32>} : memref<8x4096xf32, #tpu.memory_space<vmem>>, vector<16xf32>,
            %add3A_280 = arith.addf %get3A_279, %select_n3A_275 : vector<16xf32>
            %swap3A_281 = arith.constant 7 : i32
            %swap3A_282 = arith.index_cast %swap3A_281 : i32 to index
            %swap3A_283 = arith.index_cast %mul3A_125 : i32 to index
            %swap3A_284 = tpu.vector_load %arg7[%swap3A_282, %swap3A_283] {strides = array<i32>} : memref<8x4096xf32, #tpu.memory_space<vmem>>, vector<16xf32>,
            tpu.vector_store %arg7[%swap3A_282, %swap3A_283], %add3A_280 {strides = array<i32>} : memref<8x4096xf32, #tpu.memory_space<vmem>>, vector<16xf32>,
            %mul3A_285 = arith.mulf %select_n3A_275, %select_n3A_275 : vector<16xf32>
            %add3A_286 = arith.addf %add3A_269, %mul3A_285 : vector<16xf32>
            %swap3A_287 = arith.index_cast %mul3A_125 : i32 to index
            %swap3A_288 = tpu.vector_load %arg8[%swap3A_287] {strides = array<i32>} : memref<4096xf32, #tpu.memory_space<vmem>>, vector<16xf32>,
            tpu.vector_store %arg8[%swap3A_287], %add3A_286 {strides = array<i32>} : memref<4096xf32, #tpu.memory_space<vmem>>, vector<16xf32>,
          } else {
          }
        }
        %scan3A_122 = arith.constant 256 : i32
      } else {
      }
    }
    %while3A_37 = arith.constant 1 : i32
    scf.for %while3A_40 = %while3A_35 to %while3A_31 step %while3A_37  : i32 {
      %mul3A_41 = arith.constant 16 : i32
      %mul3A_42 = arith.muli %while3A_40, %mul3A_41 : i32
      %add3A_43 = arith.addi %arg1, %mul3A_42 : i32
      %mul3A_44 = arith.constant 10240 : i32
      %mul3A_45 = arith.muli %add3A_43, %mul3A_44 : i32
      %multiple_of3A = tpu.assume_multiple %mul3A_45, 128 : i32
      %mul3A_46 = arith.constant 8 : i32
      %mul3A_47 = arith.muli %arg0, %mul3A_46 : i32
      %multiple_of3A_48 = tpu.assume_multiple %mul3A_47, 8 : i32
      "tpu.region"() ({
        %run_scoped3A = tpu.sem_alloc : memref<!tpu.dma_semaphore, #tpu.memory_space<semaphore_mem>>
        %dma_start3A = tpu.memref_slice %arg2[%multiple_of3A_48, %multiple_of3A] : memref<16x2600000xf32, #tpu.memory_space<hbm>> -> memref<8x10240xf32, #tpu.memory_space<hbm>>
        %dma_start3A_114 = tpu.memref_slice %arg2[%multiple_of3A_48, %multiple_of3A] : memref<16x2600000xf32, #tpu.memory_space<hbm>> -> memref<8x10240xf32, #tpu.memory_space<hbm>>
        tpu.enqueue_dma source(%dma_start3A_114 : memref<8x10240xf32, #tpu.memory_space<hbm>>) target(%arg6 : memref<8x10240xf32, #tpu.memory_space<vmem>>) target_semaphore(%run_scoped3A : memref<!tpu.dma_semaphore, #tpu.memory_space<semaphore_mem>>)
        %dma_wait3A = tpu.memref_slice %arg2[%multiple_of3A_48, %multiple_of3A] : memref<16x2600000xf32, #tpu.memory_space<hbm>> -> memref<8x10240xf32, #tpu.memory_space<hbm>>
        %dma_wait3A_115 = tpu.memref_slice %arg2[%multiple_of3A_48, %multiple_of3A] : memref<16x2600000xf32, #tpu.memory_space<hbm>> -> memref<8x10240xf32, #tpu.memory_space<hbm>>
        tpu.wait_dma2 semaphore(%run_scoped3A : memref<!tpu.dma_semaphore, #tpu.memory_space<semaphore_mem>>) src(%dma_wait3A_115 : memref<8x10240xf32, #tpu.memory_space<hbm>>) dst(%arg6 : memref<8x10240xf32, #tpu.memory_space<vmem>>)
        tpu.yield
      }) : () -> ()
      %jit3A_49 = arith.constant 100000 : i32
      %div3A_50 = arith.divsi %multiple_of3A, %jit3A_49 : i32
      %sign3A_51 = arith.constant 0 : i32
      %sign3A_52 = arith.cmpi sgt, %multiple_of3A, %sign3A_51 : i32
      %sign3A_53 = arith.extui %sign3A_52 : i1 to i32
      %sign3A_54 = arith.constant 0 : i32
      %sign3A_55 = arith.cmpi slt, %multiple_of3A, %sign3A_54 : i32
      %sign3A_56 = arith.extui %sign3A_55 : i1 to i32
      %sign3A_57 = arith.subi %sign3A_53, %sign3A_56 : i32
      %sign3A_58 = arith.constant 0 : i32
      %sign3A_59 = arith.cmpi sgt, %jit3A_49, %sign3A_58 : i32
      %sign3A_60 = arith.extui %sign3A_59 : i1 to i32
      %sign3A_61 = arith.constant 0 : i32
      %sign3A_62 = arith.cmpi slt, %jit3A_49, %sign3A_61 : i32
      %sign3A_63 = arith.extui %sign3A_62 : i1 to i32
      %sign3A_64 = arith.subi %sign3A_60, %sign3A_63 : i32
      %ne3A_65 = arith.cmpi ne, %sign3A_57, %sign3A_64 : i32
      %rem3A_66 = arith.remsi %multiple_of3A, %jit3A_49 : i32
      %ne3A_67 = arith.constant 0 : i32
      %ne3A_68 = arith.cmpi ne, %rem3A_66, %ne3A_67 : i32
      %and3A_69 = arith.andi %ne3A_65, %ne3A_68 : i1
      %sub3A_70 = arith.constant 1 : i32
      %sub3A_71 = arith.subi %div3A_50, %sub3A_70 : i32
      %select_n3A_72 = arith.select %and3A_69, %sub3A_71, %div3A_50 : i32
      %add3A_73 = arith.constant 10240 : i32
      %add3A_74 = arith.addi %multiple_of3A, %add3A_73 : i32
      %sub3A_75 = arith.constant 1 : i32
      %sub3A_76 = arith.subi %add3A_74, %sub3A_75 : i32
      %jit3A_77 = arith.constant 100000 : i32
      %div3A_78 = arith.divsi %sub3A_76, %jit3A_77 : i32
      %sign3A_79 = arith.constant 0 : i32
      %sign3A_80 = arith.cmpi sgt, %sub3A_76, %sign3A_79 : i32
      %sign3A_81 = arith.extui %sign3A_80 : i1 to i32
      %sign3A_82 = arith.constant 0 : i32
      %sign3A_83 = arith.cmpi slt, %sub3A_76, %sign3A_82 : i32
      %sign3A_84 = arith.extui %sign3A_83 : i1 to i32
      %sign3A_85 = arith.subi %sign3A_81, %sign3A_84 : i32
      %sign3A_86 = arith.constant 0 : i32
      %sign3A_87 = arith.cmpi sgt, %jit3A_77, %sign3A_86 : i32
      %sign3A_88 = arith.extui %sign3A_87 : i1 to i32
      %sign3A_89 = arith.constant 0 : i32
      %sign3A_90 = arith.cmpi slt, %jit3A_77, %sign3A_89 : i32
      %sign3A_91 = arith.extui %sign3A_90 : i1 to i32
      %sign3A_92 = arith.subi %sign3A_88, %sign3A_91 : i32
      %ne3A_93 = arith.cmpi ne, %sign3A_85, %sign3A_92 : i32
      %rem3A_94 = arith.remsi %sub3A_76, %jit3A_77 : i32
      %ne3A_95 = arith.constant 0 : i32
      %ne3A_96 = arith.cmpi ne, %rem3A_94, %ne3A_95 : i32
      %and3A_97 = arith.andi %ne3A_93, %ne3A_96 : i1
      %sub3A_98 = arith.constant 1 : i32
      %sub3A_99 = arith.subi %div3A_78, %sub3A_98 : i32
      %select_n3A_100 = arith.select %and3A_97, %sub3A_99, %div3A_78 : i32
      %mul3A_101 = arith.constant 4096 : i32
      %mul3A_102 = arith.muli %select_n3A_72, %mul3A_101 : i32
      %multiple_of3A_103 = tpu.assume_multiple %mul3A_102, 8 : i32
      "tpu.region"() ({
        %run_scoped3A = tpu.sem_alloc : memref<!tpu.dma_semaphore, #tpu.memory_space<semaphore_mem>>
        %dma_start3A = tpu.memref_slice %arg3[%multiple_of3A_103] : memref<106496xi32, #tpu.memory_space<hbm>> -> memref<4096xi32, #tpu.memory_space<hbm>>
        %dma_start3A_114 = tpu.memref_slice %arg3[%multiple_of3A_103] : memref<106496xi32, #tpu.memory_space<hbm>> -> memref<4096xi32, #tpu.memory_space<hbm>>
        tpu.enqueue_dma source(%dma_start3A_114 : memref<4096xi32, #tpu.memory_space<hbm>>) target(%arg9 : memref<4096xi32, #tpu.memory_space<vmem>>) target_semaphore(%run_scoped3A : memref<!tpu.dma_semaphore, #tpu.memory_space<semaphore_mem>>)
        %dma_wait3A = tpu.memref_slice %arg3[%multiple_of3A_103] : memref<106496xi32, #tpu.memory_space<hbm>> -> memref<4096xi32, #tpu.memory_space<hbm>>
        %dma_wait3A_115 = tpu.memref_slice %arg3[%multiple_of3A_103] : memref<106496xi32, #tpu.memory_space<hbm>> -> memref<4096xi32, #tpu.memory_space<hbm>>
        tpu.wait_dma2 semaphore(%run_scoped3A : memref<!tpu.dma_semaphore, #tpu.memory_space<semaphore_mem>>) src(%dma_wait3A_115 : memref<4096xi32, #tpu.memory_space<hbm>>) dst(%arg9 : memref<4096xi32, #tpu.memory_space<vmem>>)
        tpu.yield
      }) : () -> ()
      %scan3A_104 = arith.constant 0 : i32
      %scan3A_105 = arith.constant 0 : i32
      %scan3A_106 = arith.constant 256 : i32
      %scan3A_107 = arith.addi %scan3A_105, %scan3A_106 : i32
      %scan3A_108 = arith.constant 1 : i32
      scf.for %scan3A_114 = %scan3A_105 to %scan3A_107 step %scan3A_108  : i32 {
        %mul3A_115 = arith.constant 16 : i32
        %mul3A_116 = arith.muli %scan3A_114, %mul3A_115 : i32
        %get3A = arith.index_cast %mul3A_116 : i32 to index
        %get3A_117 = tpu.vector_load %arg9[%get3A] {strides = array<i32>} : memref<4096xi32, #tpu.memory_space<vmem>>, vector<16xi32>,
        %sub3A_118 = vector.broadcast %multiple_of3A : i32 to vector<16xi32>
        %sub3A_119 = arith.subi %get3A_117, %sub3A_118 : vector<16xi32>
        %ge3A = arith.constant 0 : i32
        %ge3A_120 = vector.broadcast %ge3A : i32 to vector<16xi32>
        %ge3A_121 = arith.cmpi sge, %sub3A_119, %ge3A_120 : vector<16xi32>
        %lt3A = arith.constant 10240 : i32
        %lt3A_122 = vector.broadcast %lt3A : i32 to vector<16xi32>
        %lt3A_123 = arith.cmpi slt, %sub3A_119, %lt3A_122 : vector<16xi32>
        %and3A_124 = arith.andi %ge3A_121, %lt3A_123 : vector<16xi1>
        %reduce_or3A = arith.constant 1.000000e+00 : f32
        %reduce_or3A_125 = arith.constant 0.000000e+00 : f32
        %reduce_or3A_126 = vector.broadcast %reduce_or3A : f32 to vector<16xf32>
        %reduce_or3A_127 = vector.broadcast %reduce_or3A_125 : f32 to vector<16xf32>
        %reduce_or3A_128 = arith.select %and3A_124, %reduce_or3A_126, %reduce_or3A_127 : vector<16xi1>, vector<16xf32>
        %reduce_or3A_129 = arith.constant true
        %reduce_or3A_130 = vector.broadcast %reduce_or3A_129 : i1 to vector<16xi1>
        %reduce_or3A_131 = tpu.scan <max>, %reduce_or3A_128 masked %reduce_or3A_130 : vector<16xf32>, vector<16xi1> -> vector<16xf32>
        %reduce_or3A_132 = vector.extract %reduce_or3A_131[15] : f32 from vector<16xf32>
        %reduce_or3A_133 = arith.constant 0.000000e+00 : f32
        %reduce_or3A_134 = arith.cmpf ogt, %reduce_or3A_132, %reduce_or3A_133 : f32
        %convert_element_type3A_135 = arith.extui %reduce_or3A_134 : i1 to i32
        %cond3A_136 = arith.constant 0 : i32
        %cond3A_137 = arith.cmpi ne, %convert_element_type3A_135, %cond3A_136 : i32
        scf.if %cond3A_137 {
          %max3A = arith.constant 0 : i32
          %max3A_138 = vector.broadcast %max3A : i32 to vector<16xi32>
          %max3A_139 = arith.maxsi %sub3A_119, %max3A_138 : vector<16xi32>
          %min3A = arith.constant 10239 : i32
          %min3A_140 = vector.broadcast %min3A : i32 to vector<16xi32>
          %min3A_141 = arith.minsi %max3A_139, %min3A_140 : vector<16xi32>
          %get3A_142 = arith.index_cast %mul3A_116 : i32 to index
          %get3A_143 = tpu.vector_load %arg8[%get3A_142] {strides = array<i32>} : memref<4096xf32, #tpu.memory_space<vmem>>, vector<16xf32>,
          %broadcast_in_dim3A_144 = arith.constant 0 : i32
          %broadcast_in_dim3A_145 = vector.broadcast %broadcast_in_dim3A_144 : i32 to vector<16xi32>
          %gather3A = tpu.vector_load_idx %arg6[%broadcast_in_dim3A_145, %min3A_141] : memref<8x10240xf32, #tpu.memory_space<vmem>>[vector<16xi32>, vector<16xi32>], vector<16xf32>,
          %jit3A_146 = arith.constant 0.000000e+00 : f32
          %broadcast_in_dim3A_147 = vector.broadcast %jit3A_146 : f32 to vector<16xf32>
          %select_n3A_148 = arith.select %and3A_124, %gather3A, %broadcast_in_dim3A_147 : vector<16xi1>, vector<16xf32>
          %get3A_149 = arith.constant 0 : i32
          %get3A_150 = arith.index_cast %get3A_149 : i32 to index
          %get3A_151 = arith.index_cast %mul3A_116 : i32 to index
          %get3A_152 = tpu.vector_load %arg7[%get3A_150, %get3A_151] {strides = array<i32>} : memref<8x4096xf32, #tpu.memory_space<vmem>>, vector<16xf32>,
          %add3A_153 = arith.addf %get3A_152, %select_n3A_148 : vector<16xf32>
          %swap3A = arith.constant 0 : i32
          %swap3A_154 = arith.index_cast %swap3A : i32 to index
          %swap3A_155 = arith.index_cast %mul3A_116 : i32 to index
          %swap3A_156 = tpu.vector_load %arg7[%swap3A_154, %swap3A_155] {strides = array<i32>} : memref<8x4096xf32, #tpu.memory_space<vmem>>, vector<16xf32>,
          tpu.vector_store %arg7[%swap3A_154, %swap3A_155], %add3A_153 {strides = array<i32>} : memref<8x4096xf32, #tpu.memory_space<vmem>>, vector<16xf32>,
          %mul3A_157 = arith.mulf %select_n3A_148, %select_n3A_148 : vector<16xf32>
          %add3A_158 = arith.addf %get3A_143, %mul3A_157 : vector<16xf32>
          %broadcast_in_dim3A_159 = arith.constant 1 : i32
          %broadcast_in_dim3A_160 = vector.broadcast %broadcast_in_dim3A_159 : i32 to vector<16xi32>
          %gather3A_161 = tpu.vector_load_idx %arg6[%broadcast_in_dim3A_160, %min3A_141] : memref<8x10240xf32, #tpu.memory_space<vmem>>[vector<16xi32>, vector<16xi32>], vector<16xf32>,
          %jit3A_162 = arith.constant 0.000000e+00 : f32
          %broadcast_in_dim3A_163 = vector.broadcast %jit3A_162 : f32 to vector<16xf32>
          %select_n3A_164 = arith.select %and3A_124, %gather3A_161, %broadcast_in_dim3A_163 : vector<16xi1>, vector<16xf32>
          %get3A_165 = arith.constant 1 : i32
          %get3A_166 = arith.index_cast %get3A_165 : i32 to index
          %get3A_167 = arith.index_cast %mul3A_116 : i32 to index
          %get3A_168 = tpu.vector_load %arg7[%get3A_166, %get3A_167] {strides = array<i32>} : memref<8x4096xf32, #tpu.memory_space<vmem>>, vector<16xf32>,
          %add3A_169 = arith.addf %get3A_168, %select_n3A_164 : vector<16xf32>
          %swap3A_170 = arith.constant 1 : i32
          %swap3A_171 = arith.index_cast %swap3A_170 : i32 to index
          %swap3A_172 = arith.index_cast %mul3A_116 : i32 to index
          %swap3A_173 = tpu.vector_load %arg7[%swap3A_171, %swap3A_172] {strides = array<i32>} : memref<8x4096xf32, #tpu.memory_space<vmem>>, vector<16xf32>,
          tpu.vector_store %arg7[%swap3A_171, %swap3A_172], %add3A_169 {strides = array<i32>} : memref<8x4096xf32, #tpu.memory_space<vmem>>, vector<16xf32>,
          %mul3A_174 = arith.mulf %select_n3A_164, %select_n3A_164 : vector<16xf32>
          %add3A_175 = arith.addf %add3A_158, %mul3A_174 : vector<16xf32>
          %broadcast_in_dim3A_176 = arith.constant 2 : i32
          %broadcast_in_dim3A_177 = vector.broadcast %broadcast_in_dim3A_176 : i32 to vector<16xi32>
          %gather3A_178 = tpu.vector_load_idx %arg6[%broadcast_in_dim3A_177, %min3A_141] : memref<8x10240xf32, #tpu.memory_space<vmem>>[vector<16xi32>, vector<16xi32>], vector<16xf32>,
          %jit3A_179 = arith.constant 0.000000e+00 : f32
          %broadcast_in_dim3A_180 = vector.broadcast %jit3A_179 : f32 to vector<16xf32>
          %select_n3A_181 = arith.select %and3A_124, %gather3A_178, %broadcast_in_dim3A_180 : vector<16xi1>, vector<16xf32>
          %get3A_182 = arith.constant 2 : i32
          %get3A_183 = arith.index_cast %get3A_182 : i32 to index
          %get3A_184 = arith.index_cast %mul3A_116 : i32 to index
          %get3A_185 = tpu.vector_load %arg7[%get3A_183, %get3A_184] {strides = array<i32>} : memref<8x4096xf32, #tpu.memory_space<vmem>>, vector<16xf32>,
          %add3A_186 = arith.addf %get3A_185, %select_n3A_181 : vector<16xf32>
          %swap3A_187 = arith.constant 2 : i32
          %swap3A_188 = arith.index_cast %swap3A_187 : i32 to index
          %swap3A_189 = arith.index_cast %mul3A_116 : i32 to index
          %swap3A_190 = tpu.vector_load %arg7[%swap3A_188, %swap3A_189] {strides = array<i32>} : memref<8x4096xf32, #tpu.memory_space<vmem>>, vector<16xf32>,
          tpu.vector_store %arg7[%swap3A_188, %swap3A_189], %add3A_186 {strides = array<i32>} : memref<8x4096xf32, #tpu.memory_space<vmem>>, vector<16xf32>,
          %mul3A_191 = arith.mulf %select_n3A_181, %select_n3A_181 : vector<16xf32>
          %add3A_192 = arith.addf %add3A_175, %mul3A_191 : vector<16xf32>
          %broadcast_in_dim3A_193 = arith.constant 3 : i32
          %broadcast_in_dim3A_194 = vector.broadcast %broadcast_in_dim3A_193 : i32 to vector<16xi32>
          %gather3A_195 = tpu.vector_load_idx %arg6[%broadcast_in_dim3A_194, %min3A_141] : memref<8x10240xf32, #tpu.memory_space<vmem>>[vector<16xi32>, vector<16xi32>], vector<16xf32>,
          %jit3A_196 = arith.constant 0.000000e+00 : f32
          %broadcast_in_dim3A_197 = vector.broadcast %jit3A_196 : f32 to vector<16xf32>
          %select_n3A_198 = arith.select %and3A_124, %gather3A_195, %broadcast_in_dim3A_197 : vector<16xi1>, vector<16xf32>
          %get3A_199 = arith.constant 3 : i32
          %get3A_200 = arith.index_cast %get3A_199 : i32 to index
          %get3A_201 = arith.index_cast %mul3A_116 : i32 to index
          %get3A_202 = tpu.vector_load %arg7[%get3A_200, %get3A_201] {strides = array<i32>} : memref<8x4096xf32, #tpu.memory_space<vmem>>, vector<16xf32>,
          %add3A_203 = arith.addf %get3A_202, %select_n3A_198 : vector<16xf32>
          %swap3A_204 = arith.constant 3 : i32
          %swap3A_205 = arith.index_cast %swap3A_204 : i32 to index
          %swap3A_206 = arith.index_cast %mul3A_116 : i32 to index
          %swap3A_207 = tpu.vector_load %arg7[%swap3A_205, %swap3A_206] {strides = array<i32>} : memref<8x4096xf32, #tpu.memory_space<vmem>>, vector<16xf32>,
          tpu.vector_store %arg7[%swap3A_205, %swap3A_206], %add3A_203 {strides = array<i32>} : memref<8x4096xf32, #tpu.memory_space<vmem>>, vector<16xf32>,
          %mul3A_208 = arith.mulf %select_n3A_198, %select_n3A_198 : vector<16xf32>
          %add3A_209 = arith.addf %add3A_192, %mul3A_208 : vector<16xf32>
          %broadcast_in_dim3A_210 = arith.constant 4 : i32
          %broadcast_in_dim3A_211 = vector.broadcast %broadcast_in_dim3A_210 : i32 to vector<16xi32>
          %gather3A_212 = tpu.vector_load_idx %arg6[%broadcast_in_dim3A_211, %min3A_141] : memref<8x10240xf32, #tpu.memory_space<vmem>>[vector<16xi32>, vector<16xi32>], vector<16xf32>,
          %jit3A_213 = arith.constant 0.000000e+00 : f32
          %broadcast_in_dim3A_214 = vector.broadcast %jit3A_213 : f32 to vector<16xf32>
          %select_n3A_215 = arith.select %and3A_124, %gather3A_212, %broadcast_in_dim3A_214 : vector<16xi1>, vector<16xf32>
          %get3A_216 = arith.constant 4 : i32
          %get3A_217 = arith.index_cast %get3A_216 : i32 to index
          %get3A_218 = arith.index_cast %mul3A_116 : i32 to index
          %get3A_219 = tpu.vector_load %arg7[%get3A_217, %get3A_218] {strides = array<i32>} : memref<8x4096xf32, #tpu.memory_space<vmem>>, vector<16xf32>,
          %add3A_220 = arith.addf %get3A_219, %select_n3A_215 : vector<16xf32>
          %swap3A_221 = arith.constant 4 : i32
          %swap3A_222 = arith.index_cast %swap3A_221 : i32 to index
          %swap3A_223 = arith.index_cast %mul3A_116 : i32 to index
          %swap3A_224 = tpu.vector_load %arg7[%swap3A_222, %swap3A_223] {strides = array<i32>} : memref<8x4096xf32, #tpu.memory_space<vmem>>, vector<16xf32>,
          tpu.vector_store %arg7[%swap3A_222, %swap3A_223], %add3A_220 {strides = array<i32>} : memref<8x4096xf32, #tpu.memory_space<vmem>>, vector<16xf32>,
          %mul3A_225 = arith.mulf %select_n3A_215, %select_n3A_215 : vector<16xf32>
          %add3A_226 = arith.addf %add3A_209, %mul3A_225 : vector<16xf32>
          %broadcast_in_dim3A_227 = arith.constant 5 : i32
          %broadcast_in_dim3A_228 = vector.broadcast %broadcast_in_dim3A_227 : i32 to vector<16xi32>
          %gather3A_229 = tpu.vector_load_idx %arg6[%broadcast_in_dim3A_228, %min3A_141] : memref<8x10240xf32, #tpu.memory_space<vmem>>[vector<16xi32>, vector<16xi32>], vector<16xf32>,
          %jit3A_230 = arith.constant 0.000000e+00 : f32
          %broadcast_in_dim3A_231 = vector.broadcast %jit3A_230 : f32 to vector<16xf32>
          %select_n3A_232 = arith.select %and3A_124, %gather3A_229, %broadcast_in_dim3A_231 : vector<16xi1>, vector<16xf32>
          %get3A_233 = arith.constant 5 : i32
          %get3A_234 = arith.index_cast %get3A_233 : i32 to index
          %get3A_235 = arith.index_cast %mul3A_116 : i32 to index
          %get3A_236 = tpu.vector_load %arg7[%get3A_234, %get3A_235] {strides = array<i32>} : memref<8x4096xf32, #tpu.memory_space<vmem>>, vector<16xf32>,
          %add3A_237 = arith.addf %get3A_236, %select_n3A_232 : vector<16xf32>
          %swap3A_238 = arith.constant 5 : i32
          %swap3A_239 = arith.index_cast %swap3A_238 : i32 to index
          %swap3A_240 = arith.index_cast %mul3A_116 : i32 to index
          %swap3A_241 = tpu.vector_load %arg7[%swap3A_239, %swap3A_240] {strides = array<i32>} : memref<8x4096xf32, #tpu.memory_space<vmem>>, vector<16xf32>,
          tpu.vector_store %arg7[%swap3A_239, %swap3A_240], %add3A_237 {strides = array<i32>} : memref<8x4096xf32, #tpu.memory_space<vmem>>, vector<16xf32>,
          %mul3A_242 = arith.mulf %select_n3A_232, %select_n3A_232 : vector<16xf32>
          %add3A_243 = arith.addf %add3A_226, %mul3A_242 : vector<16xf32>
          %broadcast_in_dim3A_244 = arith.constant 6 : i32
          %broadcast_in_dim3A_245 = vector.broadcast %broadcast_in_dim3A_244 : i32 to vector<16xi32>
          %gather3A_246 = tpu.vector_load_idx %arg6[%broadcast_in_dim3A_245, %min3A_141] : memref<8x10240xf32, #tpu.memory_space<vmem>>[vector<16xi32>, vector<16xi32>], vector<16xf32>,
          %jit3A_247 = arith.constant 0.000000e+00 : f32
          %broadcast_in_dim3A_248 = vector.broadcast %jit3A_247 : f32 to vector<16xf32>
          %select_n3A_249 = arith.select %and3A_124, %gather3A_246, %broadcast_in_dim3A_248 : vector<16xi1>, vector<16xf32>
          %get3A_250 = arith.constant 6 : i32
          %get3A_251 = arith.index_cast %get3A_250 : i32 to index
          %get3A_252 = arith.index_cast %mul3A_116 : i32 to index
          %get3A_253 = tpu.vector_load %arg7[%get3A_251, %get3A_252] {strides = array<i32>} : memref<8x4096xf32, #tpu.memory_space<vmem>>, vector<16xf32>,
          %add3A_254 = arith.addf %get3A_253, %select_n3A_249 : vector<16xf32>
          %swap3A_255 = arith.constant 6 : i32
          %swap3A_256 = arith.index_cast %swap3A_255 : i32 to index
          %swap3A_257 = arith.index_cast %mul3A_116 : i32 to index
          %swap3A_258 = tpu.vector_load %arg7[%swap3A_256, %swap3A_257] {strides = array<i32>} : memref<8x4096xf32, #tpu.memory_space<vmem>>, vector<16xf32>,
          tpu.vector_store %arg7[%swap3A_256, %swap3A_257], %add3A_254 {strides = array<i32>} : memref<8x4096xf32, #tpu.memory_space<vmem>>, vector<16xf32>,
          %mul3A_259 = arith.mulf %select_n3A_249, %select_n3A_249 : vector<16xf32>
          %add3A_260 = arith.addf %add3A_243, %mul3A_259 : vector<16xf32>
          %broadcast_in_dim3A_261 = arith.constant 7 : i32
          %broadcast_in_dim3A_262 = vector.broadcast %broadcast_in_dim3A_261 : i32 to vector<16xi32>
          %gather3A_263 = tpu.vector_load_idx %arg6[%broadcast_in_dim3A_262, %min3A_141] : memref<8x10240xf32, #tpu.memory_space<vmem>>[vector<16xi32>, vector<16xi32>], vector<16xf32>,
          %jit3A_264 = arith.constant 0.000000e+00 : f32
          %broadcast_in_dim3A_265 = vector.broadcast %jit3A_264 : f32 to vector<16xf32>
          %select_n3A_266 = arith.select %and3A_124, %gather3A_263, %broadcast_in_dim3A_265 : vector<16xi1>, vector<16xf32>
          %get3A_267 = arith.constant 7 : i32
          %get3A_268 = arith.index_cast %get3A_267 : i32 to index
          %get3A_269 = arith.index_cast %mul3A_116 : i32 to index
          %get3A_270 = tpu.vector_load %arg7[%get3A_268, %get3A_269] {strides = array<i32>} : memref<8x4096xf32, #tpu.memory_space<vmem>>, vector<16xf32>,
          %add3A_271 = arith.addf %get3A_270, %select_n3A_266 : vector<16xf32>
          %swap3A_272 = arith.constant 7 : i32
          %swap3A_273 = arith.index_cast %swap3A_272 : i32 to index
          %swap3A_274 = arith.index_cast %mul3A_116 : i32 to index
          %swap3A_275 = tpu.vector_load %arg7[%swap3A_273, %swap3A_274] {strides = array<i32>} : memref<8x4096xf32, #tpu.memory_space<vmem>>, vector<16xf32>,
          tpu.vector_store %arg7[%swap3A_273, %swap3A_274], %add3A_271 {strides = array<i32>} : memref<8x4096xf32, #tpu.memory_space<vmem>>, vector<16xf32>,
          %mul3A_276 = arith.mulf %select_n3A_266, %select_n3A_266 : vector<16xf32>
          %add3A_277 = arith.addf %add3A_260, %mul3A_276 : vector<16xf32>
          %swap3A_278 = arith.index_cast %mul3A_116 : i32 to index
          %swap3A_279 = tpu.vector_load %arg8[%swap3A_278] {strides = array<i32>} : memref<4096xf32, #tpu.memory_space<vmem>>, vector<16xf32>,
          tpu.vector_store %arg8[%swap3A_278], %add3A_277 {strides = array<i32>} : memref<4096xf32, #tpu.memory_space<vmem>>, vector<16xf32>,
        } else {
        }
      }
      %scan3A_109 = arith.constant 256 : i32
      %ne3A_110 = arith.cmpi ne, %select_n3A_100, %select_n3A_72 : i32
      %convert_element_type3A_111 = arith.extui %ne3A_110 : i1 to i32
      %cond3A_112 = arith.constant 0 : i32
      %cond3A_113 = arith.cmpi ne, %convert_element_type3A_111, %cond3A_112 : i32
      scf.if %cond3A_113 {
        %mul3A_114 = arith.constant 4096 : i32
        %mul3A_115 = arith.muli %select_n3A_100, %mul3A_114 : i32
        %multiple_of3A_116 = tpu.assume_multiple %mul3A_115, 8 : i32
        "tpu.region"() ({
          %run_scoped3A = tpu.sem_alloc : memref<!tpu.dma_semaphore, #tpu.memory_space<semaphore_mem>>
          %dma_start3A = tpu.memref_slice %arg3[%multiple_of3A_116] : memref<106496xi32, #tpu.memory_space<hbm>> -> memref<4096xi32, #tpu.memory_space<hbm>>
          %dma_start3A_123 = tpu.memref_slice %arg3[%multiple_of3A_116] : memref<106496xi32, #tpu.memory_space<hbm>> -> memref<4096xi32, #tpu.memory_space<hbm>>
          tpu.enqueue_dma source(%dma_start3A_123 : memref<4096xi32, #tpu.memory_space<hbm>>) target(%arg9 : memref<4096xi32, #tpu.memory_space<vmem>>) target_semaphore(%run_scoped3A : memref<!tpu.dma_semaphore, #tpu.memory_space<semaphore_mem>>)
          %dma_wait3A = tpu.memref_slice %arg3[%multiple_of3A_116] : memref<106496xi32, #tpu.memory_space<hbm>> -> memref<4096xi32, #tpu.memory_space<hbm>>
          %dma_wait3A_124 = tpu.memref_slice %arg3[%multiple_of3A_116] : memref<106496xi32, #tpu.memory_space<hbm>> -> memref<4096xi32, #tpu.memory_space<hbm>>
          tpu.wait_dma2 semaphore(%run_scoped3A : memref<!tpu.dma_semaphore, #tpu.memory_space<semaphore_mem>>) src(%dma_wait3A_124 : memref<4096xi32, #tpu.memory_space<hbm>>) dst(%arg9 : memref<4096xi32, #tpu.memory_space<vmem>>)
          tpu.yield
        }) : () -> ()
        %scan3A_117 = arith.constant 0 : i32
        %scan3A_118 = arith.constant 0 : i32
        %scan3A_119 = arith.constant 256 : i32
        %scan3A_120 = arith.addi %scan3A_118, %scan3A_119 : i32
        %scan3A_121 = arith.constant 1 : i32
        scf.for %scan3A_123 = %scan3A_118 to %scan3A_120 step %scan3A_121  : i32 {
          %mul3A_124 = arith.constant 16 : i32
          %mul3A_125 = arith.muli %scan3A_123, %mul3A_124 : i32
          %get3A = arith.index_cast %mul3A_125 : i32 to index
          %get3A_126 = tpu.vector_load %arg9[%get3A] {strides = array<i32>} : memref<4096xi32, #tpu.memory_space<vmem>>, vector<16xi32>,
          %sub3A_127 = vector.broadcast %multiple_of3A : i32 to vector<16xi32>
          %sub3A_128 = arith.subi %get3A_126, %sub3A_127 : vector<16xi32>
          %ge3A = arith.constant 0 : i32
          %ge3A_129 = vector.broadcast %ge3A : i32 to vector<16xi32>
          %ge3A_130 = arith.cmpi sge, %sub3A_128, %ge3A_129 : vector<16xi32>
          %lt3A = arith.constant 10240 : i32
          %lt3A_131 = vector.broadcast %lt3A : i32 to vector<16xi32>
          %lt3A_132 = arith.cmpi slt, %sub3A_128, %lt3A_131 : vector<16xi32>
          %and3A_133 = arith.andi %ge3A_130, %lt3A_132 : vector<16xi1>
          %reduce_or3A = arith.constant 1.000000e+00 : f32
          %reduce_or3A_134 = arith.constant 0.000000e+00 : f32
          %reduce_or3A_135 = vector.broadcast %reduce_or3A : f32 to vector<16xf32>
          %reduce_or3A_136 = vector.broadcast %reduce_or3A_134 : f32 to vector<16xf32>
          %reduce_or3A_137 = arith.select %and3A_133, %reduce_or3A_135, %reduce_or3A_136 : vector<16xi1>, vector<16xf32>
          %reduce_or3A_138 = arith.constant true
          %reduce_or3A_139 = vector.broadcast %reduce_or3A_138 : i1 to vector<16xi1>
          %reduce_or3A_140 = tpu.scan <max>, %reduce_or3A_137 masked %reduce_or3A_139 : vector<16xf32>, vector<16xi1> -> vector<16xf32>
          %reduce_or3A_141 = vector.extract %reduce_or3A_140[15] : f32 from vector<16xf32>
          %reduce_or3A_142 = arith.constant 0.000000e+00 : f32
          %reduce_or3A_143 = arith.cmpf ogt, %reduce_or3A_141, %reduce_or3A_142 : f32
          %convert_element_type3A_144 = arith.extui %reduce_or3A_143 : i1 to i32
          %cond3A_145 = arith.constant 0 : i32
          %cond3A_146 = arith.cmpi ne, %convert_element_type3A_144, %cond3A_145 : i32
          scf.if %cond3A_146 {
            %max3A = arith.constant 0 : i32
            %max3A_147 = vector.broadcast %max3A : i32 to vector<16xi32>
            %max3A_148 = arith.maxsi %sub3A_128, %max3A_147 : vector<16xi32>
            %min3A = arith.constant 10239 : i32
            %min3A_149 = vector.broadcast %min3A : i32 to vector<16xi32>
            %min3A_150 = arith.minsi %max3A_148, %min3A_149 : vector<16xi32>
            %get3A_151 = arith.index_cast %mul3A_125 : i32 to index
            %get3A_152 = tpu.vector_load %arg8[%get3A_151] {strides = array<i32>} : memref<4096xf32, #tpu.memory_space<vmem>>, vector<16xf32>,
            %broadcast_in_dim3A_153 = arith.constant 0 : i32
            %broadcast_in_dim3A_154 = vector.broadcast %broadcast_in_dim3A_153 : i32 to vector<16xi32>
            %gather3A = tpu.vector_load_idx %arg6[%broadcast_in_dim3A_154, %min3A_150] : memref<8x10240xf32, #tpu.memory_space<vmem>>[vector<16xi32>, vector<16xi32>], vector<16xf32>,
            %jit3A_155 = arith.constant 0.000000e+00 : f32
            %broadcast_in_dim3A_156 = vector.broadcast %jit3A_155 : f32 to vector<16xf32>
            %select_n3A_157 = arith.select %and3A_133, %gather3A, %broadcast_in_dim3A_156 : vector<16xi1>, vector<16xf32>
            %get3A_158 = arith.constant 0 : i32
            %get3A_159 = arith.index_cast %get3A_158 : i32 to index
            %get3A_160 = arith.index_cast %mul3A_125 : i32 to index
            %get3A_161 = tpu.vector_load %arg7[%get3A_159, %get3A_160] {strides = array<i32>} : memref<8x4096xf32, #tpu.memory_space<vmem>>, vector<16xf32>,
            %add3A_162 = arith.addf %get3A_161, %select_n3A_157 : vector<16xf32>
            %swap3A = arith.constant 0 : i32
            %swap3A_163 = arith.index_cast %swap3A : i32 to index
            %swap3A_164 = arith.index_cast %mul3A_125 : i32 to index
            %swap3A_165 = tpu.vector_load %arg7[%swap3A_163, %swap3A_164] {strides = array<i32>} : memref<8x4096xf32, #tpu.memory_space<vmem>>, vector<16xf32>,
            tpu.vector_store %arg7[%swap3A_163, %swap3A_164], %add3A_162 {strides = array<i32>} : memref<8x4096xf32, #tpu.memory_space<vmem>>, vector<16xf32>,
            %mul3A_166 = arith.mulf %select_n3A_157, %select_n3A_157 : vector<16xf32>
            %add3A_167 = arith.addf %get3A_152, %mul3A_166 : vector<16xf32>
            %broadcast_in_dim3A_168 = arith.constant 1 : i32
            %broadcast_in_dim3A_169 = vector.broadcast %broadcast_in_dim3A_168 : i32 to vector<16xi32>
            %gather3A_170 = tpu.vector_load_idx %arg6[%broadcast_in_dim3A_169, %min3A_150] : memref<8x10240xf32, #tpu.memory_space<vmem>>[vector<16xi32>, vector<16xi32>], vector<16xf32>,
            %jit3A_171 = arith.constant 0.000000e+00 : f32
            %broadcast_in_dim3A_172 = vector.broadcast %jit3A_171 : f32 to vector<16xf32>
            %select_n3A_173 = arith.select %and3A_133, %gather3A_170, %broadcast_in_dim3A_172 : vector<16xi1>, vector<16xf32>
            %get3A_174 = arith.constant 1 : i32
            %get3A_175 = arith.index_cast %get3A_174 : i32 to index
            %get3A_176 = arith.index_cast %mul3A_125 : i32 to index
            %get3A_177 = tpu.vector_load %arg7[%get3A_175, %get3A_176] {strides = array<i32>} : memref<8x4096xf32, #tpu.memory_space<vmem>>, vector<16xf32>,
            %add3A_178 = arith.addf %get3A_177, %select_n3A_173 : vector<16xf32>
            %swap3A_179 = arith.constant 1 : i32
            %swap3A_180 = arith.index_cast %swap3A_179 : i32 to index
            %swap3A_181 = arith.index_cast %mul3A_125 : i32 to index
            %swap3A_182 = tpu.vector_load %arg7[%swap3A_180, %swap3A_181] {strides = array<i32>} : memref<8x4096xf32, #tpu.memory_space<vmem>>, vector<16xf32>,
            tpu.vector_store %arg7[%swap3A_180, %swap3A_181], %add3A_178 {strides = array<i32>} : memref<8x4096xf32, #tpu.memory_space<vmem>>, vector<16xf32>,
            %mul3A_183 = arith.mulf %select_n3A_173, %select_n3A_173 : vector<16xf32>
            %add3A_184 = arith.addf %add3A_167, %mul3A_183 : vector<16xf32>
            %broadcast_in_dim3A_185 = arith.constant 2 : i32
            %broadcast_in_dim3A_186 = vector.broadcast %broadcast_in_dim3A_185 : i32 to vector<16xi32>
            %gather3A_187 = tpu.vector_load_idx %arg6[%broadcast_in_dim3A_186, %min3A_150] : memref<8x10240xf32, #tpu.memory_space<vmem>>[vector<16xi32>, vector<16xi32>], vector<16xf32>,
            %jit3A_188 = arith.constant 0.000000e+00 : f32
            %broadcast_in_dim3A_189 = vector.broadcast %jit3A_188 : f32 to vector<16xf32>
            %select_n3A_190 = arith.select %and3A_133, %gather3A_187, %broadcast_in_dim3A_189 : vector<16xi1>, vector<16xf32>
            %get3A_191 = arith.constant 2 : i32
            %get3A_192 = arith.index_cast %get3A_191 : i32 to index
            %get3A_193 = arith.index_cast %mul3A_125 : i32 to index
            %get3A_194 = tpu.vector_load %arg7[%get3A_192, %get3A_193] {strides = array<i32>} : memref<8x4096xf32, #tpu.memory_space<vmem>>, vector<16xf32>,
            %add3A_195 = arith.addf %get3A_194, %select_n3A_190 : vector<16xf32>
            %swap3A_196 = arith.constant 2 : i32
            %swap3A_197 = arith.index_cast %swap3A_196 : i32 to index
            %swap3A_198 = arith.index_cast %mul3A_125 : i32 to index
            %swap3A_199 = tpu.vector_load %arg7[%swap3A_197, %swap3A_198] {strides = array<i32>} : memref<8x4096xf32, #tpu.memory_space<vmem>>, vector<16xf32>,
            tpu.vector_store %arg7[%swap3A_197, %swap3A_198], %add3A_195 {strides = array<i32>} : memref<8x4096xf32, #tpu.memory_space<vmem>>, vector<16xf32>,
            %mul3A_200 = arith.mulf %select_n3A_190, %select_n3A_190 : vector<16xf32>
            %add3A_201 = arith.addf %add3A_184, %mul3A_200 : vector<16xf32>
            %broadcast_in_dim3A_202 = arith.constant 3 : i32
            %broadcast_in_dim3A_203 = vector.broadcast %broadcast_in_dim3A_202 : i32 to vector<16xi32>
            %gather3A_204 = tpu.vector_load_idx %arg6[%broadcast_in_dim3A_203, %min3A_150] : memref<8x10240xf32, #tpu.memory_space<vmem>>[vector<16xi32>, vector<16xi32>], vector<16xf32>,
            %jit3A_205 = arith.constant 0.000000e+00 : f32
            %broadcast_in_dim3A_206 = vector.broadcast %jit3A_205 : f32 to vector<16xf32>
            %select_n3A_207 = arith.select %and3A_133, %gather3A_204, %broadcast_in_dim3A_206 : vector<16xi1>, vector<16xf32>
            %get3A_208 = arith.constant 3 : i32
            %get3A_209 = arith.index_cast %get3A_208 : i32 to index
            %get3A_210 = arith.index_cast %mul3A_125 : i32 to index
            %get3A_211 = tpu.vector_load %arg7[%get3A_209, %get3A_210] {strides = array<i32>} : memref<8x4096xf32, #tpu.memory_space<vmem>>, vector<16xf32>,
            %add3A_212 = arith.addf %get3A_211, %select_n3A_207 : vector<16xf32>
            %swap3A_213 = arith.constant 3 : i32
            %swap3A_214 = arith.index_cast %swap3A_213 : i32 to index
            %swap3A_215 = arith.index_cast %mul3A_125 : i32 to index
            %swap3A_216 = tpu.vector_load %arg7[%swap3A_214, %swap3A_215] {strides = array<i32>} : memref<8x4096xf32, #tpu.memory_space<vmem>>, vector<16xf32>,
            tpu.vector_store %arg7[%swap3A_214, %swap3A_215], %add3A_212 {strides = array<i32>} : memref<8x4096xf32, #tpu.memory_space<vmem>>, vector<16xf32>,
            %mul3A_217 = arith.mulf %select_n3A_207, %select_n3A_207 : vector<16xf32>
            %add3A_218 = arith.addf %add3A_201, %mul3A_217 : vector<16xf32>
            %broadcast_in_dim3A_219 = arith.constant 4 : i32
            %broadcast_in_dim3A_220 = vector.broadcast %broadcast_in_dim3A_219 : i32 to vector<16xi32>
            %gather3A_221 = tpu.vector_load_idx %arg6[%broadcast_in_dim3A_220, %min3A_150] : memref<8x10240xf32, #tpu.memory_space<vmem>>[vector<16xi32>, vector<16xi32>], vector<16xf32>,
            %jit3A_222 = arith.constant 0.000000e+00 : f32
            %broadcast_in_dim3A_223 = vector.broadcast %jit3A_222 : f32 to vector<16xf32>
            %select_n3A_224 = arith.select %and3A_133, %gather3A_221, %broadcast_in_dim3A_223 : vector<16xi1>, vector<16xf32>
            %get3A_225 = arith.constant 4 : i32
            %get3A_226 = arith.index_cast %get3A_225 : i32 to index
            %get3A_227 = arith.index_cast %mul3A_125 : i32 to index
            %get3A_228 = tpu.vector_load %arg7[%get3A_226, %get3A_227] {strides = array<i32>} : memref<8x4096xf32, #tpu.memory_space<vmem>>, vector<16xf32>,
            %add3A_229 = arith.addf %get3A_228, %select_n3A_224 : vector<16xf32>
            %swap3A_230 = arith.constant 4 : i32
            %swap3A_231 = arith.index_cast %swap3A_230 : i32 to index
            %swap3A_232 = arith.index_cast %mul3A_125 : i32 to index
            %swap3A_233 = tpu.vector_load %arg7[%swap3A_231, %swap3A_232] {strides = array<i32>} : memref<8x4096xf32, #tpu.memory_space<vmem>>, vector<16xf32>,
            tpu.vector_store %arg7[%swap3A_231, %swap3A_232], %add3A_229 {strides = array<i32>} : memref<8x4096xf32, #tpu.memory_space<vmem>>, vector<16xf32>,
            %mul3A_234 = arith.mulf %select_n3A_224, %select_n3A_224 : vector<16xf32>
            %add3A_235 = arith.addf %add3A_218, %mul3A_234 : vector<16xf32>
            %broadcast_in_dim3A_236 = arith.constant 5 : i32
            %broadcast_in_dim3A_237 = vector.broadcast %broadcast_in_dim3A_236 : i32 to vector<16xi32>
            %gather3A_238 = tpu.vector_load_idx %arg6[%broadcast_in_dim3A_237, %min3A_150] : memref<8x10240xf32, #tpu.memory_space<vmem>>[vector<16xi32>, vector<16xi32>], vector<16xf32>,
            %jit3A_239 = arith.constant 0.000000e+00 : f32
            %broadcast_in_dim3A_240 = vector.broadcast %jit3A_239 : f32 to vector<16xf32>
            %select_n3A_241 = arith.select %and3A_133, %gather3A_238, %broadcast_in_dim3A_240 : vector<16xi1>, vector<16xf32>
            %get3A_242 = arith.constant 5 : i32
            %get3A_243 = arith.index_cast %get3A_242 : i32 to index
            %get3A_244 = arith.index_cast %mul3A_125 : i32 to index
            %get3A_245 = tpu.vector_load %arg7[%get3A_243, %get3A_244] {strides = array<i32>} : memref<8x4096xf32, #tpu.memory_space<vmem>>, vector<16xf32>,
            %add3A_246 = arith.addf %get3A_245, %select_n3A_241 : vector<16xf32>
            %swap3A_247 = arith.constant 5 : i32
            %swap3A_248 = arith.index_cast %swap3A_247 : i32 to index
            %swap3A_249 = arith.index_cast %mul3A_125 : i32 to index
            %swap3A_250 = tpu.vector_load %arg7[%swap3A_248, %swap3A_249] {strides = array<i32>} : memref<8x4096xf32, #tpu.memory_space<vmem>>, vector<16xf32>,
            tpu.vector_store %arg7[%swap3A_248, %swap3A_249], %add3A_246 {strides = array<i32>} : memref<8x4096xf32, #tpu.memory_space<vmem>>, vector<16xf32>,
            %mul3A_251 = arith.mulf %select_n3A_241, %select_n3A_241 : vector<16xf32>
            %add3A_252 = arith.addf %add3A_235, %mul3A_251 : vector<16xf32>
            %broadcast_in_dim3A_253 = arith.constant 6 : i32
            %broadcast_in_dim3A_254 = vector.broadcast %broadcast_in_dim3A_253 : i32 to vector<16xi32>
            %gather3A_255 = tpu.vector_load_idx %arg6[%broadcast_in_dim3A_254, %min3A_150] : memref<8x10240xf32, #tpu.memory_space<vmem>>[vector<16xi32>, vector<16xi32>], vector<16xf32>,
            %jit3A_256 = arith.constant 0.000000e+00 : f32
            %broadcast_in_dim3A_257 = vector.broadcast %jit3A_256 : f32 to vector<16xf32>
            %select_n3A_258 = arith.select %and3A_133, %gather3A_255, %broadcast_in_dim3A_257 : vector<16xi1>, vector<16xf32>
            %get3A_259 = arith.constant 6 : i32
            %get3A_260 = arith.index_cast %get3A_259 : i32 to index
            %get3A_261 = arith.index_cast %mul3A_125 : i32 to index
            %get3A_262 = tpu.vector_load %arg7[%get3A_260, %get3A_261] {strides = array<i32>} : memref<8x4096xf32, #tpu.memory_space<vmem>>, vector<16xf32>,
            %add3A_263 = arith.addf %get3A_262, %select_n3A_258 : vector<16xf32>
            %swap3A_264 = arith.constant 6 : i32
            %swap3A_265 = arith.index_cast %swap3A_264 : i32 to index
            %swap3A_266 = arith.index_cast %mul3A_125 : i32 to index
            %swap3A_267 = tpu.vector_load %arg7[%swap3A_265, %swap3A_266] {strides = array<i32>} : memref<8x4096xf32, #tpu.memory_space<vmem>>, vector<16xf32>,
            tpu.vector_store %arg7[%swap3A_265, %swap3A_266], %add3A_263 {strides = array<i32>} : memref<8x4096xf32, #tpu.memory_space<vmem>>, vector<16xf32>,
            %mul3A_268 = arith.mulf %select_n3A_258, %select_n3A_258 : vector<16xf32>
            %add3A_269 = arith.addf %add3A_252, %mul3A_268 : vector<16xf32>
            %broadcast_in_dim3A_270 = arith.constant 7 : i32
            %broadcast_in_dim3A_271 = vector.broadcast %broadcast_in_dim3A_270 : i32 to vector<16xi32>
            %gather3A_272 = tpu.vector_load_idx %arg6[%broadcast_in_dim3A_271, %min3A_150] : memref<8x10240xf32, #tpu.memory_space<vmem>>[vector<16xi32>, vector<16xi32>], vector<16xf32>,
            %jit3A_273 = arith.constant 0.000000e+00 : f32
            %broadcast_in_dim3A_274 = vector.broadcast %jit3A_273 : f32 to vector<16xf32>
            %select_n3A_275 = arith.select %and3A_133, %gather3A_272, %broadcast_in_dim3A_274 : vector<16xi1>, vector<16xf32>
            %get3A_276 = arith.constant 7 : i32
            %get3A_277 = arith.index_cast %get3A_276 : i32 to index
            %get3A_278 = arith.index_cast %mul3A_125 : i32 to index
            %get3A_279 = tpu.vector_load %arg7[%get3A_277, %get3A_278] {strides = array<i32>} : memref<8x4096xf32, #tpu.memory_space<vmem>>, vector<16xf32>,
            %add3A_280 = arith.addf %get3A_279, %select_n3A_275 : vector<16xf32>
            %swap3A_281 = arith.constant 7 : i32
            %swap3A_282 = arith.index_cast %swap3A_281 : i32 to index
            %swap3A_283 = arith.index_cast %mul3A_125 : i32 to index
            %swap3A_284 = tpu.vector_load %arg7[%swap3A_282, %swap3A_283] {strides = array<i32>} : memref<8x4096xf32, #tpu.memory_space<vmem>>, vector<16xf32>,
            tpu.vector_store %arg7[%swap3A_282, %swap3A_283], %add3A_280 {strides = array<i32>} : memref<8x4096xf32, #tpu.memory_space<vmem>>, vector<16xf32>,
            %mul3A_285 = arith.mulf %select_n3A_275, %select_n3A_275 : vector<16xf32>
            %add3A_286 = arith.addf %add3A_269, %mul3A_285 : vector<16xf32>
            %swap3A_287 = arith.index_cast %mul3A_125 : i32 to index
            %swap3A_288 = tpu.vector_load %arg8[%swap3A_287] {strides = array<i32>} : memref<4096xf32, #tpu.memory_space<vmem>>, vector<16xf32>,
            tpu.vector_store %arg8[%swap3A_287], %add3A_286 {strides = array<i32>} : memref<4096xf32, #tpu.memory_space<vmem>>, vector<16xf32>,
          } else {
          }
        }
        %scan3A_122 = arith.constant 256 : i32
      } else {
      }
    }
    %eq3A = arith.constant 13 : i32
    %eq3A_38 = arith.cmpi eq, %arg1, %eq3A : i32
    %convert_element_type3A = arith.extui %eq3A_38 : i1 to i32
    %cond3A = arith.constant 0 : i32
    %cond3A_39 = arith.cmpi ne, %convert_element_type3A, %cond3A : i32
    scf.if %cond3A_39 {
      %mul3A_40 = arith.constant 8 : i32
      %mul3A_41 = arith.muli %arg0, %mul3A_40 : i32
      %multiple_of3A = tpu.assume_multiple %mul3A_41, 8 : i32
      "tpu.region"() ({
        %run_scoped3A = tpu.sem_alloc : memref<!tpu.dma_semaphore, #tpu.memory_space<semaphore_mem>>
        %dma_start3A = arith.constant 0 : i32
        %dma_start3A_50 = arith.constant 0 : i32
        %dma_start3A_51 = tpu.memref_slice %arg6[%dma_start3A, %dma_start3A_50] : memref<8x10240xf32, #tpu.memory_space<vmem>> -> memref<8x9216xf32, #tpu.memory_space<vmem>>
        %dma_start3A_52 = arith.constant 2590720 : i32
        %dma_start3A_53 = tpu.memref_slice %arg2[%multiple_of3A, %dma_start3A_52] : memref<16x2600000xf32, #tpu.memory_space<hbm>> -> memref<8x9216xf32, #tpu.memory_space<hbm>>
        %dma_start3A_54 = arith.constant 0 : i32
        %dma_start3A_55 = arith.constant 0 : i32
        %dma_start3A_56 = tpu.memref_slice %arg6[%dma_start3A_54, %dma_start3A_55] : memref<8x10240xf32, #tpu.memory_space<vmem>> -> memref<8x9216xf32, #tpu.memory_space<vmem>>
        %dma_start3A_57 = arith.constant 2590720 : i32
        %dma_start3A_58 = tpu.memref_slice %arg2[%multiple_of3A, %dma_start3A_57] : memref<16x2600000xf32, #tpu.memory_space<hbm>> -> memref<8x9216xf32, #tpu.memory_space<hbm>>
        tpu.enqueue_dma source(%dma_start3A_58 : memref<8x9216xf32, #tpu.memory_space<hbm>>) target(%dma_start3A_56 : memref<8x9216xf32, #tpu.memory_space<vmem>>) target_semaphore(%run_scoped3A : memref<!tpu.dma_semaphore, #tpu.memory_space<semaphore_mem>>)
        %dma_wait3A = arith.constant 0 : i32
        %dma_wait3A_59 = arith.constant 0 : i32
        %dma_wait3A_60 = tpu.memref_slice %arg6[%dma_wait3A, %dma_wait3A_59] : memref<8x10240xf32, #tpu.memory_space<vmem>> -> memref<8x9216xf32, #tpu.memory_space<vmem>>
        %dma_wait3A_61 = arith.constant 2590720 : i32
        %dma_wait3A_62 = tpu.memref_slice %arg2[%multiple_of3A, %dma_wait3A_61] : memref<16x2600000xf32, #tpu.memory_space<hbm>> -> memref<8x9216xf32, #tpu.memory_space<hbm>>
        %dma_wait3A_63 = arith.constant 0 : i32
        %dma_wait3A_64 = arith.constant 0 : i32
        %dma_wait3A_65 = tpu.memref_slice %arg6[%dma_wait3A_63, %dma_wait3A_64] : memref<8x10240xf32, #tpu.memory_space<vmem>> -> memref<8x9216xf32, #tpu.memory_space<vmem>>
        %dma_wait3A_66 = arith.constant 2590720 : i32
        %dma_wait3A_67 = tpu.memref_slice %arg2[%multiple_of3A, %dma_wait3A_66] : memref<16x2600000xf32, #tpu.memory_space<hbm>> -> memref<8x9216xf32, #tpu.memory_space<hbm>>
        tpu.wait_dma2 semaphore(%run_scoped3A : memref<!tpu.dma_semaphore, #tpu.memory_space<semaphore_mem>>) src(%dma_wait3A_67 : memref<8x9216xf32, #tpu.memory_space<hbm>>) dst(%dma_wait3A_65 : memref<8x9216xf32, #tpu.memory_space<vmem>>)
        tpu.yield
      }) : () -> ()
      %multiple_of3A_42 = arith.constant 102400 : i32
      %multiple_of3A_43 = tpu.assume_multiple %multiple_of3A_42, 8 : i32
      "tpu.region"() ({
        %run_scoped3A = tpu.sem_alloc : memref<!tpu.dma_semaphore, #tpu.memory_space<semaphore_mem>>
        %dma_start3A = tpu.memref_slice %arg3[%multiple_of3A_43] : memref<106496xi32, #tpu.memory_space<hbm>> -> memref<4096xi32, #tpu.memory_space<hbm>>
        %dma_start3A_50 = tpu.memref_slice %arg3[%multiple_of3A_43] : memref<106496xi32, #tpu.memory_space<hbm>> -> memref<4096xi32, #tpu.memory_space<hbm>>
        tpu.enqueue_dma source(%dma_start3A_50 : memref<4096xi32, #tpu.memory_space<hbm>>) target(%arg9 : memref<4096xi32, #tpu.memory_space<vmem>>) target_semaphore(%run_scoped3A : memref<!tpu.dma_semaphore, #tpu.memory_space<semaphore_mem>>)
        %dma_wait3A = tpu.memref_slice %arg3[%multiple_of3A_43] : memref<106496xi32, #tpu.memory_space<hbm>> -> memref<4096xi32, #tpu.memory_space<hbm>>
        %dma_wait3A_51 = tpu.memref_slice %arg3[%multiple_of3A_43] : memref<106496xi32, #tpu.memory_space<hbm>> -> memref<4096xi32, #tpu.memory_space<hbm>>
        tpu.wait_dma2 semaphore(%run_scoped3A : memref<!tpu.dma_semaphore, #tpu.memory_space<semaphore_mem>>) src(%dma_wait3A_51 : memref<4096xi32, #tpu.memory_space<hbm>>) dst(%arg9 : memref<4096xi32, #tpu.memory_space<vmem>>)
        tpu.yield
      }) : () -> ()
      %scan3A_44 = arith.constant 0 : i32
      %scan3A_45 = arith.constant 0 : i32
      %scan3A_46 = arith.constant 256 : i32
      %scan3A_47 = arith.addi %scan3A_45, %scan3A_46 : i32
      %scan3A_48 = arith.constant 1 : i32
      scf.for %scan3A_50 = %scan3A_45 to %scan3A_47 step %scan3A_48  : i32 {
        %mul3A_51 = arith.constant 16 : i32
        %mul3A_52 = arith.muli %scan3A_50, %mul3A_51 : i32
        %get3A = arith.index_cast %mul3A_52 : i32 to index
        %get3A_53 = tpu.vector_load %arg9[%get3A] {strides = array<i32>} : memref<4096xi32, #tpu.memory_space<vmem>>, vector<16xi32>,
        %sub3A_54 = arith.constant 2590720 : i32
        %sub3A_55 = vector.broadcast %sub3A_54 : i32 to vector<16xi32>
        %sub3A_56 = arith.subi %get3A_53, %sub3A_55 : vector<16xi32>
        %ge3A = arith.constant 0 : i32
        %ge3A_57 = vector.broadcast %ge3A : i32 to vector<16xi32>
        %ge3A_58 = arith.cmpi sge, %sub3A_56, %ge3A_57 : vector<16xi32>
        %lt3A = arith.constant 9216 : i32
        %lt3A_59 = vector.broadcast %lt3A : i32 to vector<16xi32>
        %lt3A_60 = arith.cmpi slt, %sub3A_56, %lt3A_59 : vector<16xi32>
        %and3A_61 = arith.andi %ge3A_58, %lt3A_60 : vector<16xi1>
        %reduce_or3A = arith.constant 1.000000e+00 : f32
        %reduce_or3A_62 = arith.constant 0.000000e+00 : f32
        %reduce_or3A_63 = vector.broadcast %reduce_or3A : f32 to vector<16xf32>
        %reduce_or3A_64 = vector.broadcast %reduce_or3A_62 : f32 to vector<16xf32>
        %reduce_or3A_65 = arith.select %and3A_61, %reduce_or3A_63, %reduce_or3A_64 : vector<16xi1>, vector<16xf32>
        %reduce_or3A_66 = arith.constant true
        %reduce_or3A_67 = vector.broadcast %reduce_or3A_66 : i1 to vector<16xi1>
        %reduce_or3A_68 = tpu.scan <max>, %reduce_or3A_65 masked %reduce_or3A_67 : vector<16xf32>, vector<16xi1> -> vector<16xf32>
        %reduce_or3A_69 = vector.extract %reduce_or3A_68[15] : f32 from vector<16xf32>
        %reduce_or3A_70 = arith.constant 0.000000e+00 : f32
        %reduce_or3A_71 = arith.cmpf ogt, %reduce_or3A_69, %reduce_or3A_70 : f32
        %convert_element_type3A_72 = arith.extui %reduce_or3A_71 : i1 to i32
        %cond3A_73 = arith.constant 0 : i32
        %cond3A_74 = arith.cmpi ne, %convert_element_type3A_72, %cond3A_73 : i32
        scf.if %cond3A_74 {
          %max3A = arith.constant 0 : i32
          %max3A_75 = vector.broadcast %max3A : i32 to vector<16xi32>
          %max3A_76 = arith.maxsi %sub3A_56, %max3A_75 : vector<16xi32>
          %min3A = arith.constant 9215 : i32
          %min3A_77 = vector.broadcast %min3A : i32 to vector<16xi32>
          %min3A_78 = arith.minsi %max3A_76, %min3A_77 : vector<16xi32>
          %get3A_79 = arith.index_cast %mul3A_52 : i32 to index
          %get3A_80 = tpu.vector_load %arg8[%get3A_79] {strides = array<i32>} : memref<4096xf32, #tpu.memory_space<vmem>>, vector<16xf32>,
          %broadcast_in_dim3A_81 = arith.constant 0 : i32
          %broadcast_in_dim3A_82 = vector.broadcast %broadcast_in_dim3A_81 : i32 to vector<16xi32>
          %gather3A = tpu.vector_load_idx %arg6[%broadcast_in_dim3A_82, %min3A_78] : memref<8x10240xf32, #tpu.memory_space<vmem>>[vector<16xi32>, vector<16xi32>], vector<16xf32>,
          %jit3A_83 = arith.constant 0.000000e+00 : f32
          %broadcast_in_dim3A_84 = vector.broadcast %jit3A_83 : f32 to vector<16xf32>
          %select_n3A_85 = arith.select %and3A_61, %gather3A, %broadcast_in_dim3A_84 : vector<16xi1>, vector<16xf32>
          %get3A_86 = arith.constant 0 : i32
          %get3A_87 = arith.index_cast %get3A_86 : i32 to index
          %get3A_88 = arith.index_cast %mul3A_52 : i32 to index
          %get3A_89 = tpu.vector_load %arg7[%get3A_87, %get3A_88] {strides = array<i32>} : memref<8x4096xf32, #tpu.memory_space<vmem>>, vector<16xf32>,
          %add3A_90 = arith.addf %get3A_89, %select_n3A_85 : vector<16xf32>
          %swap3A = arith.constant 0 : i32
          %swap3A_91 = arith.index_cast %swap3A : i32 to index
          %swap3A_92 = arith.index_cast %mul3A_52 : i32 to index
          %swap3A_93 = tpu.vector_load %arg7[%swap3A_91, %swap3A_92] {strides = array<i32>} : memref<8x4096xf32, #tpu.memory_space<vmem>>, vector<16xf32>,
          tpu.vector_store %arg7[%swap3A_91, %swap3A_92], %add3A_90 {strides = array<i32>} : memref<8x4096xf32, #tpu.memory_space<vmem>>, vector<16xf32>,
          %mul3A_94 = arith.mulf %select_n3A_85, %select_n3A_85 : vector<16xf32>
          %add3A_95 = arith.addf %get3A_80, %mul3A_94 : vector<16xf32>
          %broadcast_in_dim3A_96 = arith.constant 1 : i32
          %broadcast_in_dim3A_97 = vector.broadcast %broadcast_in_dim3A_96 : i32 to vector<16xi32>
          %gather3A_98 = tpu.vector_load_idx %arg6[%broadcast_in_dim3A_97, %min3A_78] : memref<8x10240xf32, #tpu.memory_space<vmem>>[vector<16xi32>, vector<16xi32>], vector<16xf32>,
          %jit3A_99 = arith.constant 0.000000e+00 : f32
          %broadcast_in_dim3A_100 = vector.broadcast %jit3A_99 : f32 to vector<16xf32>
          %select_n3A_101 = arith.select %and3A_61, %gather3A_98, %broadcast_in_dim3A_100 : vector<16xi1>, vector<16xf32>
          %get3A_102 = arith.constant 1 : i32
          %get3A_103 = arith.index_cast %get3A_102 : i32 to index
          %get3A_104 = arith.index_cast %mul3A_52 : i32 to index
          %get3A_105 = tpu.vector_load %arg7[%get3A_103, %get3A_104] {strides = array<i32>} : memref<8x4096xf32, #tpu.memory_space<vmem>>, vector<16xf32>,
          %add3A_106 = arith.addf %get3A_105, %select_n3A_101 : vector<16xf32>
          %swap3A_107 = arith.constant 1 : i32
          %swap3A_108 = arith.index_cast %swap3A_107 : i32 to index
          %swap3A_109 = arith.index_cast %mul3A_52 : i32 to index
          %swap3A_110 = tpu.vector_load %arg7[%swap3A_108, %swap3A_109] {strides = array<i32>} : memref<8x4096xf32, #tpu.memory_space<vmem>>, vector<16xf32>,
          tpu.vector_store %arg7[%swap3A_108, %swap3A_109], %add3A_106 {strides = array<i32>} : memref<8x4096xf32, #tpu.memory_space<vmem>>, vector<16xf32>,
          %mul3A_111 = arith.mulf %select_n3A_101, %select_n3A_101 : vector<16xf32>
          %add3A_112 = arith.addf %add3A_95, %mul3A_111 : vector<16xf32>
          %broadcast_in_dim3A_113 = arith.constant 2 : i32
          %broadcast_in_dim3A_114 = vector.broadcast %broadcast_in_dim3A_113 : i32 to vector<16xi32>
          %gather3A_115 = tpu.vector_load_idx %arg6[%broadcast_in_dim3A_114, %min3A_78] : memref<8x10240xf32, #tpu.memory_space<vmem>>[vector<16xi32>, vector<16xi32>], vector<16xf32>,
          %jit3A_116 = arith.constant 0.000000e+00 : f32
          %broadcast_in_dim3A_117 = vector.broadcast %jit3A_116 : f32 to vector<16xf32>
          %select_n3A_118 = arith.select %and3A_61, %gather3A_115, %broadcast_in_dim3A_117 : vector<16xi1>, vector<16xf32>
          %get3A_119 = arith.constant 2 : i32
          %get3A_120 = arith.index_cast %get3A_119 : i32 to index
          %get3A_121 = arith.index_cast %mul3A_52 : i32 to index
          %get3A_122 = tpu.vector_load %arg7[%get3A_120, %get3A_121] {strides = array<i32>} : memref<8x4096xf32, #tpu.memory_space<vmem>>, vector<16xf32>,
          %add3A_123 = arith.addf %get3A_122, %select_n3A_118 : vector<16xf32>
          %swap3A_124 = arith.constant 2 : i32
          %swap3A_125 = arith.index_cast %swap3A_124 : i32 to index
          %swap3A_126 = arith.index_cast %mul3A_52 : i32 to index
          %swap3A_127 = tpu.vector_load %arg7[%swap3A_125, %swap3A_126] {strides = array<i32>} : memref<8x4096xf32, #tpu.memory_space<vmem>>, vector<16xf32>,
          tpu.vector_store %arg7[%swap3A_125, %swap3A_126], %add3A_123 {strides = array<i32>} : memref<8x4096xf32, #tpu.memory_space<vmem>>, vector<16xf32>,
          %mul3A_128 = arith.mulf %select_n3A_118, %select_n3A_118 : vector<16xf32>
          %add3A_129 = arith.addf %add3A_112, %mul3A_128 : vector<16xf32>
          %broadcast_in_dim3A_130 = arith.constant 3 : i32
          %broadcast_in_dim3A_131 = vector.broadcast %broadcast_in_dim3A_130 : i32 to vector<16xi32>
          %gather3A_132 = tpu.vector_load_idx %arg6[%broadcast_in_dim3A_131, %min3A_78] : memref<8x10240xf32, #tpu.memory_space<vmem>>[vector<16xi32>, vector<16xi32>], vector<16xf32>,
          %jit3A_133 = arith.constant 0.000000e+00 : f32
          %broadcast_in_dim3A_134 = vector.broadcast %jit3A_133 : f32 to vector<16xf32>
          %select_n3A_135 = arith.select %and3A_61, %gather3A_132, %broadcast_in_dim3A_134 : vector<16xi1>, vector<16xf32>
          %get3A_136 = arith.constant 3 : i32
          %get3A_137 = arith.index_cast %get3A_136 : i32 to index
          %get3A_138 = arith.index_cast %mul3A_52 : i32 to index
          %get3A_139 = tpu.vector_load %arg7[%get3A_137, %get3A_138] {strides = array<i32>} : memref<8x4096xf32, #tpu.memory_space<vmem>>, vector<16xf32>,
          %add3A_140 = arith.addf %get3A_139, %select_n3A_135 : vector<16xf32>
          %swap3A_141 = arith.constant 3 : i32
          %swap3A_142 = arith.index_cast %swap3A_141 : i32 to index
          %swap3A_143 = arith.index_cast %mul3A_52 : i32 to index
          %swap3A_144 = tpu.vector_load %arg7[%swap3A_142, %swap3A_143] {strides = array<i32>} : memref<8x4096xf32, #tpu.memory_space<vmem>>, vector<16xf32>,
          tpu.vector_store %arg7[%swap3A_142, %swap3A_143], %add3A_140 {strides = array<i32>} : memref<8x4096xf32, #tpu.memory_space<vmem>>, vector<16xf32>,
          %mul3A_145 = arith.mulf %select_n3A_135, %select_n3A_135 : vector<16xf32>
          %add3A_146 = arith.addf %add3A_129, %mul3A_145 : vector<16xf32>
          %broadcast_in_dim3A_147 = arith.constant 4 : i32
          %broadcast_in_dim3A_148 = vector.broadcast %broadcast_in_dim3A_147 : i32 to vector<16xi32>
          %gather3A_149 = tpu.vector_load_idx %arg6[%broadcast_in_dim3A_148, %min3A_78] : memref<8x10240xf32, #tpu.memory_space<vmem>>[vector<16xi32>, vector<16xi32>], vector<16xf32>,
          %jit3A_150 = arith.constant 0.000000e+00 : f32
          %broadcast_in_dim3A_151 = vector.broadcast %jit3A_150 : f32 to vector<16xf32>
          %select_n3A_152 = arith.select %and3A_61, %gather3A_149, %broadcast_in_dim3A_151 : vector<16xi1>, vector<16xf32>
          %get3A_153 = arith.constant 4 : i32
          %get3A_154 = arith.index_cast %get3A_153 : i32 to index
          %get3A_155 = arith.index_cast %mul3A_52 : i32 to index
          %get3A_156 = tpu.vector_load %arg7[%get3A_154, %get3A_155] {strides = array<i32>} : memref<8x4096xf32, #tpu.memory_space<vmem>>, vector<16xf32>,
          %add3A_157 = arith.addf %get3A_156, %select_n3A_152 : vector<16xf32>
          %swap3A_158 = arith.constant 4 : i32
          %swap3A_159 = arith.index_cast %swap3A_158 : i32 to index
          %swap3A_160 = arith.index_cast %mul3A_52 : i32 to index
          %swap3A_161 = tpu.vector_load %arg7[%swap3A_159, %swap3A_160] {strides = array<i32>} : memref<8x4096xf32, #tpu.memory_space<vmem>>, vector<16xf32>,
          tpu.vector_store %arg7[%swap3A_159, %swap3A_160], %add3A_157 {strides = array<i32>} : memref<8x4096xf32, #tpu.memory_space<vmem>>, vector<16xf32>,
          %mul3A_162 = arith.mulf %select_n3A_152, %select_n3A_152 : vector<16xf32>
          %add3A_163 = arith.addf %add3A_146, %mul3A_162 : vector<16xf32>
          %broadcast_in_dim3A_164 = arith.constant 5 : i32
          %broadcast_in_dim3A_165 = vector.broadcast %broadcast_in_dim3A_164 : i32 to vector<16xi32>
          %gather3A_166 = tpu.vector_load_idx %arg6[%broadcast_in_dim3A_165, %min3A_78] : memref<8x10240xf32, #tpu.memory_space<vmem>>[vector<16xi32>, vector<16xi32>], vector<16xf32>,
          %jit3A_167 = arith.constant 0.000000e+00 : f32
          %broadcast_in_dim3A_168 = vector.broadcast %jit3A_167 : f32 to vector<16xf32>
          %select_n3A_169 = arith.select %and3A_61, %gather3A_166, %broadcast_in_dim3A_168 : vector<16xi1>, vector<16xf32>
          %get3A_170 = arith.constant 5 : i32
          %get3A_171 = arith.index_cast %get3A_170 : i32 to index
          %get3A_172 = arith.index_cast %mul3A_52 : i32 to index
          %get3A_173 = tpu.vector_load %arg7[%get3A_171, %get3A_172] {strides = array<i32>} : memref<8x4096xf32, #tpu.memory_space<vmem>>, vector<16xf32>,
          %add3A_174 = arith.addf %get3A_173, %select_n3A_169 : vector<16xf32>
          %swap3A_175 = arith.constant 5 : i32
          %swap3A_176 = arith.index_cast %swap3A_175 : i32 to index
          %swap3A_177 = arith.index_cast %mul3A_52 : i32 to index
          %swap3A_178 = tpu.vector_load %arg7[%swap3A_176, %swap3A_177] {strides = array<i32>} : memref<8x4096xf32, #tpu.memory_space<vmem>>, vector<16xf32>,
          tpu.vector_store %arg7[%swap3A_176, %swap3A_177], %add3A_174 {strides = array<i32>} : memref<8x4096xf32, #tpu.memory_space<vmem>>, vector<16xf32>,
          %mul3A_179 = arith.mulf %select_n3A_169, %select_n3A_169 : vector<16xf32>
          %add3A_180 = arith.addf %add3A_163, %mul3A_179 : vector<16xf32>
          %broadcast_in_dim3A_181 = arith.constant 6 : i32
          %broadcast_in_dim3A_182 = vector.broadcast %broadcast_in_dim3A_181 : i32 to vector<16xi32>
          %gather3A_183 = tpu.vector_load_idx %arg6[%broadcast_in_dim3A_182, %min3A_78] : memref<8x10240xf32, #tpu.memory_space<vmem>>[vector<16xi32>, vector<16xi32>], vector<16xf32>,
          %jit3A_184 = arith.constant 0.000000e+00 : f32
          %broadcast_in_dim3A_185 = vector.broadcast %jit3A_184 : f32 to vector<16xf32>
          %select_n3A_186 = arith.select %and3A_61, %gather3A_183, %broadcast_in_dim3A_185 : vector<16xi1>, vector<16xf32>
          %get3A_187 = arith.constant 6 : i32
          %get3A_188 = arith.index_cast %get3A_187 : i32 to index
          %get3A_189 = arith.index_cast %mul3A_52 : i32 to index
          %get3A_190 = tpu.vector_load %arg7[%get3A_188, %get3A_189] {strides = array<i32>} : memref<8x4096xf32, #tpu.memory_space<vmem>>, vector<16xf32>,
          %add3A_191 = arith.addf %get3A_190, %select_n3A_186 : vector<16xf32>
          %swap3A_192 = arith.constant 6 : i32
          %swap3A_193 = arith.index_cast %swap3A_192 : i32 to index
          %swap3A_194 = arith.index_cast %mul3A_52 : i32 to index
          %swap3A_195 = tpu.vector_load %arg7[%swap3A_193, %swap3A_194] {strides = array<i32>} : memref<8x4096xf32, #tpu.memory_space<vmem>>, vector<16xf32>,
          tpu.vector_store %arg7[%swap3A_193, %swap3A_194], %add3A_191 {strides = array<i32>} : memref<8x4096xf32, #tpu.memory_space<vmem>>, vector<16xf32>,
          %mul3A_196 = arith.mulf %select_n3A_186, %select_n3A_186 : vector<16xf32>
          %add3A_197 = arith.addf %add3A_180, %mul3A_196 : vector<16xf32>
          %broadcast_in_dim3A_198 = arith.constant 7 : i32
          %broadcast_in_dim3A_199 = vector.broadcast %broadcast_in_dim3A_198 : i32 to vector<16xi32>
          %gather3A_200 = tpu.vector_load_idx %arg6[%broadcast_in_dim3A_199, %min3A_78] : memref<8x10240xf32, #tpu.memory_space<vmem>>[vector<16xi32>, vector<16xi32>], vector<16xf32>,
          %jit3A_201 = arith.constant 0.000000e+00 : f32
          %broadcast_in_dim3A_202 = vector.broadcast %jit3A_201 : f32 to vector<16xf32>
          %select_n3A_203 = arith.select %and3A_61, %gather3A_200, %broadcast_in_dim3A_202 : vector<16xi1>, vector<16xf32>
          %get3A_204 = arith.constant 7 : i32
          %get3A_205 = arith.index_cast %get3A_204 : i32 to index
          %get3A_206 = arith.index_cast %mul3A_52 : i32 to index
          %get3A_207 = tpu.vector_load %arg7[%get3A_205, %get3A_206] {strides = array<i32>} : memref<8x4096xf32, #tpu.memory_space<vmem>>, vector<16xf32>,
          %add3A_208 = arith.addf %get3A_207, %select_n3A_203 : vector<16xf32>
          %swap3A_209 = arith.constant 7 : i32
          %swap3A_210 = arith.index_cast %swap3A_209 : i32 to index
          %swap3A_211 = arith.index_cast %mul3A_52 : i32 to index
          %swap3A_212 = tpu.vector_load %arg7[%swap3A_210, %swap3A_211] {strides = array<i32>} : memref<8x4096xf32, #tpu.memory_space<vmem>>, vector<16xf32>,
          tpu.vector_store %arg7[%swap3A_210, %swap3A_211], %add3A_208 {strides = array<i32>} : memref<8x4096xf32, #tpu.memory_space<vmem>>, vector<16xf32>,
          %mul3A_213 = arith.mulf %select_n3A_203, %select_n3A_203 : vector<16xf32>
          %add3A_214 = arith.addf %add3A_197, %mul3A_213 : vector<16xf32>
          %swap3A_215 = arith.index_cast %mul3A_52 : i32 to index
          %swap3A_216 = tpu.vector_load %arg8[%swap3A_215] {strides = array<i32>} : memref<4096xf32, #tpu.memory_space<vmem>>, vector<16xf32>,
          tpu.vector_store %arg8[%swap3A_215], %add3A_214 {strides = array<i32>} : memref<4096xf32, #tpu.memory_space<vmem>>, vector<16xf32>,
        } else {
        }
      }
      %scan3A_49 = arith.constant 256 : i32
    } else {
    }
    "tpu.region"() ({
      %run_scoped3A = tpu.sem_alloc : memref<!tpu.dma_semaphore, #tpu.memory_space<semaphore_mem>>
      %dma_start3A = arith.constant 0 : i32
      %dma_start3A_40 = arith.constant 0 : i32
      %dma_start3A_41 = tpu.memref_slice %arg4[%add3A, %dma_start3A, %dma_start3A_40] : memref<32x8x4096xf32, #tpu.memory_space<hbm>> -> memref<1x8x4096xf32, #tpu.memory_space<hbm>>
      %dma_start3A_42 = tpu.memref_squeeze %dma_start3A_41 : memref<1x8x4096xf32, #tpu.memory_space<hbm>> -> memref<8x4096xf32, #tpu.memory_space<hbm>>
      %dma_start3A_43 = arith.constant 0 : i32
      %dma_start3A_44 = arith.constant 0 : i32
      %dma_start3A_45 = tpu.memref_slice %arg4[%add3A, %dma_start3A_43, %dma_start3A_44] : memref<32x8x4096xf32, #tpu.memory_space<hbm>> -> memref<1x8x4096xf32, #tpu.memory_space<hbm>>
      %dma_start3A_46 = tpu.memref_squeeze %dma_start3A_45 : memref<1x8x4096xf32, #tpu.memory_space<hbm>> -> memref<8x4096xf32, #tpu.memory_space<hbm>>
      tpu.enqueue_dma source(%arg7 : memref<8x4096xf32, #tpu.memory_space<vmem>>) target(%dma_start3A_46 : memref<8x4096xf32, #tpu.memory_space<hbm>>) target_semaphore(%run_scoped3A : memref<!tpu.dma_semaphore, #tpu.memory_space<semaphore_mem>>)
      %dma_wait3A = arith.constant 0 : i32
      %dma_wait3A_47 = arith.constant 0 : i32
      %dma_wait3A_48 = tpu.memref_slice %arg4[%add3A, %dma_wait3A, %dma_wait3A_47] : memref<32x8x4096xf32, #tpu.memory_space<hbm>> -> memref<1x8x4096xf32, #tpu.memory_space<hbm>>
      %dma_wait3A_49 = tpu.memref_squeeze %dma_wait3A_48 : memref<1x8x4096xf32, #tpu.memory_space<hbm>> -> memref<8x4096xf32, #tpu.memory_space<hbm>>
      %dma_wait3A_50 = arith.constant 0 : i32
      %dma_wait3A_51 = arith.constant 0 : i32
      %dma_wait3A_52 = tpu.memref_slice %arg4[%add3A, %dma_wait3A_50, %dma_wait3A_51] : memref<32x8x4096xf32, #tpu.memory_space<hbm>> -> memref<1x8x4096xf32, #tpu.memory_space<hbm>>
      %dma_wait3A_53 = tpu.memref_squeeze %dma_wait3A_52 : memref<1x8x4096xf32, #tpu.memory_space<hbm>> -> memref<8x4096xf32, #tpu.memory_space<hbm>>
      tpu.wait_dma2 semaphore(%run_scoped3A : memref<!tpu.dma_semaphore, #tpu.memory_space<semaphore_mem>>) src(%arg7 : memref<8x4096xf32, #tpu.memory_space<vmem>>) dst(%dma_wait3A_53 : memref<8x4096xf32, #tpu.memory_space<hbm>>)
      tpu.yield
    }) : () -> ()
    "tpu.region"() ({
      %run_scoped3A = tpu.sem_alloc : memref<!tpu.dma_semaphore, #tpu.memory_space<semaphore_mem>>
      %dma_start3A = arith.constant 0 : i32
      %dma_start3A_40 = tpu.memref_slice %arg5[%add3A, %dma_start3A] : memref<32x4096xf32, #tpu.memory_space<hbm>> -> memref<1x4096xf32, #tpu.memory_space<hbm>>
      %dma_start3A_41 = tpu.memref_squeeze %dma_start3A_40 : memref<1x4096xf32, #tpu.memory_space<hbm>> -> memref<4096xf32, #tpu.memory_space<hbm>>
      %dma_start3A_42 = arith.constant 0 : i32
      %dma_start3A_43 = tpu.memref_slice %arg5[%add3A, %dma_start3A_42] : memref<32x4096xf32, #tpu.memory_space<hbm>> -> memref<1x4096xf32, #tpu.memory_space<hbm>>
      %dma_start3A_44 = tpu.memref_squeeze %dma_start3A_43 : memref<1x4096xf32, #tpu.memory_space<hbm>> -> memref<4096xf32, #tpu.memory_space<hbm>>
      tpu.enqueue_dma source(%arg8 : memref<4096xf32, #tpu.memory_space<vmem>>) target(%dma_start3A_44 : memref<4096xf32, #tpu.memory_space<hbm>>) target_semaphore(%run_scoped3A : memref<!tpu.dma_semaphore, #tpu.memory_space<semaphore_mem>>)
      %dma_wait3A = arith.constant 0 : i32
      %dma_wait3A_45 = tpu.memref_slice %arg5[%add3A, %dma_wait3A] : memref<32x4096xf32, #tpu.memory_space<hbm>> -> memref<1x4096xf32, #tpu.memory_space<hbm>>
      %dma_wait3A_46 = tpu.memref_squeeze %dma_wait3A_45 : memref<1x4096xf32, #tpu.memory_space<hbm>> -> memref<4096xf32, #tpu.memory_space<hbm>>
      %dma_wait3A_47 = arith.constant 0 : i32
      %dma_wait3A_48 = tpu.memref_slice %arg5[%add3A, %dma_wait3A_47] : memref<32x4096xf32, #tpu.memory_space<hbm>> -> memref<1x4096xf32, #tpu.memory_space<hbm>>
      %dma_wait3A_49 = tpu.memref_squeeze %dma_wait3A_48 : memref<1x4096xf32, #tpu.memory_space<hbm>> -> memref<4096xf32, #tpu.memory_space<hbm>>
      tpu.wait_dma2 semaphore(%run_scoped3A : memref<!tpu.dma_semaphore, #tpu.memory_space<semaphore_mem>>) src(%arg8 : memref<4096xf32, #tpu.memory_space<vmem>>) dst(%dma_wait3A_49 : memref<4096xf32, #tpu.memory_space<hbm>>)
      tpu.yield
    }) : () -> ()
    return
  }
}

module attributes {stable_mosaic.version = 14 : i64} {
  func.func @_finalize_body(%arg0: memref<32x8x4096xf32, #tpu.memory_space<vmem>>, %arg1: memref<32x4096xf32, #tpu.memory_space<vmem>>, %arg2: memref<16x64xf32, #tpu.memory_space<vmem>>, %arg3: memref<4096xi32, #tpu.memory_space<vmem>>, %arg4: memref<4096xf32, #tpu.memory_space<vmem>>) attributes {dimension_semantics = [], scalar_prefetch = 0 : i64, scratch_operands = 0 : i64, tpu.core_type = #tpu.core_type<tc>} {
    %get3A = arith.constant 0 : index
    %get3A_0 = arith.constant 0 : index
    %get3A_1 = arith.constant 0 : index
    %get3A_2 = vector.load %arg0[%get3A, %get3A_0, %get3A_1] : memref<32x8x4096xf32, #tpu.memory_space<vmem>>, vector<16x8x4096xf32>
    %reduce_sum3A = arith.constant dense<0.000000e+00> : vector<8x4096xf32>
    %reduce_sum3A_3 = vector.multi_reduction <add>, %get3A_2, %reduce_sum3A [0] : vector<16x8x4096xf32> to vector<8x4096xf32>
    %get3A_4 = arith.constant 16 : index
    %get3A_5 = arith.constant 0 : index
    %get3A_6 = arith.constant 0 : index
    %get3A_7 = vector.load %arg0[%get3A_4, %get3A_5, %get3A_6] : memref<32x8x4096xf32, #tpu.memory_space<vmem>>, vector<16x8x4096xf32>
    %reduce_sum3A_8 = arith.constant dense<0.000000e+00> : vector<8x4096xf32>
    %reduce_sum3A_9 = vector.multi_reduction <add>, %get3A_7, %reduce_sum3A_8 [0] : vector<16x8x4096xf32> to vector<8x4096xf32>
    %concatenate3A = tpu.concatenate %reduce_sum3A_3, %reduce_sum3A_9 in 0 : vector<8x4096xf32>, vector<8x4096xf32> -> vector<16x4096xf32>
    %get3A_10 = arith.constant 0 : index
    %get3A_11 = vector.load %arg3[%get3A_10] : memref<4096xi32, #tpu.memory_space<vmem>>, vector<4096xi32>
    %iota3A = tpu.iota {dimensions = array<i32: 0>} : vector<64x4096xi32>
    %broadcast_in_dim3A = vector.shape_cast %get3A_11 : vector<4096xi32> to vector<1x4096xi32>
    %eq3A = vector.broadcast %broadcast_in_dim3A : vector<1x4096xi32> to vector<64x4096xi32>
    %eq3A_12 = arith.cmpi eq, %iota3A, %eq3A : vector<64x4096xi32>
    %jit3A = arith.constant 1.000000e+00 : f32
    %jit3A_13 = arith.constant 0.000000e+00 : f32
    %broadcast_in_dim3A_14 = vector.broadcast %jit3A : f32 to vector<64x4096xf32>
    %broadcast_in_dim3A_15 = vector.broadcast %jit3A_13 : f32 to vector<64x4096xf32>
    %select_n3A = arith.select %eq3A_12, %broadcast_in_dim3A_14, %broadcast_in_dim3A_15 : vector<64x4096xi1>, vector<64x4096xf32>
    %get3A_16 = arith.constant 0 : index
    %get3A_17 = arith.constant 0 : index
    %get3A_18 = vector.load %arg2[%get3A_16, %get3A_17] : memref<16x64xf32, #tpu.memory_space<vmem>>, vector<16x64xf32>
    %dot_general3A = arith.constant dense<0.000000e+00> : vector<16x4096xf32>
    %dot_general3A_19 = tpu.matmul %get3A_18, %select_n3A, %dot_general3A {dimension_numbers = #tpu.dot_dimension_numbers<[1], [0], [0], [1], [0, 0, 1, 1], [], []>, transpose_lhs_hint = false} : vector<16x64xf32>, vector<64x4096xf32>, vector<16x4096xf32> -> vector<16x4096xf32>
    %add3A = arith.addf %concatenate3A, %dot_general3A_19 : vector<16x4096xf32>
    %mul3A = arith.mulf %get3A_18, %get3A_18 : vector<16x64xf32>
    %reduce_sum3A_20 = arith.constant dense<0.000000e+00> : vector<64xf32>
    %reduce_sum3A_21 = vector.multi_reduction <add>, %mul3A, %reduce_sum3A_20 [0] : vector<16x64xf32> to vector<64xf32>
    %broadcast_in_dim3A_22 = vector.shape_cast %reduce_sum3A_21 : vector<64xf32> to vector<64x1xf32>
    %mul3A_23 = vector.broadcast %broadcast_in_dim3A_22 : vector<64x1xf32> to vector<64x4096xf32>
    %mul3A_24 = arith.mulf %select_n3A, %mul3A_23 : vector<64x4096xf32>
    %reduce_sum3A_25 = arith.constant dense<0.000000e+00> : vector<4096xf32>
    %reduce_sum3A_26 = vector.multi_reduction <add>, %mul3A_24, %reduce_sum3A_25 [0] : vector<64x4096xf32> to vector<4096xf32>
    %mul3A_27 = arith.mulf %add3A, %add3A : vector<16x4096xf32>
    %reduce_sum3A_28 = arith.constant dense<0.000000e+00> : vector<4096xf32>
    %reduce_sum3A_29 = vector.multi_reduction <add>, %mul3A_27, %reduce_sum3A_28 [0] : vector<16x4096xf32> to vector<4096xf32>
    %get3A_30 = arith.constant 0 : index
    %get3A_31 = arith.constant 0 : index
    %get3A_32 = vector.load %arg1[%get3A_30, %get3A_31] : memref<32x4096xf32, #tpu.memory_space<vmem>>, vector<32x4096xf32>
    %reduce_sum3A_33 = arith.constant dense<0.000000e+00> : vector<4096xf32>
    %reduce_sum3A_34 = vector.multi_reduction <add>, %get3A_32, %reduce_sum3A_33 [0] : vector<32x4096xf32> to vector<4096xf32>
    %add3A_35 = arith.addf %reduce_sum3A_34, %reduce_sum3A_26 : vector<4096xf32>
    %sub3A = arith.subf %reduce_sum3A_29, %add3A_35 : vector<4096xf32>
    %mul3A_36 = arith.constant 5.000000e-01 : f32
    %mul3A_37 = vector.broadcast %mul3A_36 : f32 to vector<4096xf32>
    %mul3A_38 = arith.mulf %mul3A_37, %sub3A : vector<4096xf32>
    %logistic3A = arith.negf %mul3A_38 : vector<4096xf32>
    %logistic3A_39 = math.exp %logistic3A : vector<4096xf32>
    %logistic3A_40 = arith.constant 1.000000e+00 : f32
    %logistic3A_41 = vector.broadcast %logistic3A_40 : f32 to vector<4096xf32>
    %logistic3A_42 = arith.addf %logistic3A_41, %logistic3A_39 : vector<4096xf32>
    %logistic3A_43 = arith.divf %logistic3A_41, %logistic3A_42 : vector<4096xf32>
    %swap3A = arith.constant 0 : index
    %swap3A_44 = vector.load %arg4[%swap3A] : memref<4096xf32, #tpu.memory_space<vmem>>, vector<4096xf32>
    tpu.vector_store %arg4[%swap3A], %logistic3A_43 {strides = array<i32>} : memref<4096xf32, #tpu.memory_space<vmem>>, vector<4096xf32>,
    return
  }
}

</mosaic_0001>

<sc_bundles>
// kernel: kernel.4.cloned.1.call-start
scs
__scs_entry_jumppad:
0x0: {  	(pc) =	sbr.rel $0x88, $3  }
0x1: {  	(tag) =	ssettag $0x0;
	lr =	simm.s32 $0x1  }
0x2: {  	[smem:$0x3F9F] =	sst lr;
	_ =	strace $0xD0000000  }
0x3: {  	_ = 	snop  }
0x4: {  	_ = 	snop  }
0x5: {  	_ = 	snop  }
0x6: {  	_ = 	snop  }
0x7: {  	_ = 	snop  }
__scs_overlays_trampoline_lowered:
0x8: {  	[smem:$0x3FAE] =	sst s0  }
0x9: {  	[smem:$0x3FAF] =	sst s1  }
0xa: {  	[smem:$0x3FB0] =	sst s2  }
0xb: {  	[smem:$0x3FB1] =	sst s3  }
0xc: {  	[smem:$0x3FB2] =	sst s4  }
0xd: {  	[smem:$0x3FB3] =	sst s5  }
0xe: {  	[smem:$0x3FB4] =	sst s6  }
0xf: {  	[smem:$0x3FB5] =	sst s7  }
0x10: {  	[smem:$0x3FB6] =	sst s8  }
0x11: {  	[smem:$0x3FB7] =	sst s9;
	s0 =	simm.s32 @!p0 $0x0  }
0x12: {  	s1 =	sld [smem:$0x3F9D];
	s0 =	simm.s32 @p0 $0x1  }
0x13: {  	[smem:$0x3FB8] =	sst s0;
	s0 =	simm.s32 @!p1 $0x0  }
0x14: {  	s2 =	sld [smem:$0x3F9C];
	s0 =	simm.s32 @p1 $0x1  }
0x15: {  	[smem:$0x3FB9] =	sst s0;
	s0 =	simm.s32 @!p2 $0x0  }
0x16: {  	s3 =	sld [smem:$0x3FDB];
	s0 =	simm.s32 @p2 $0x1  }
0x17: {  	s4 =	simm.s32 $0x1BF5;
	[smem:$0x3FBB] =	sst s0  }
0x18: {  	s0 =	sld [smem:$0x3F9E];
	_ =	swait.ge [sflag:s4], $0x0  }
0x19: {  	s7 =	sld [smem:$0x3F9F]  }
0x1a: {  	s8 =	sadd.s32 $0xFFFFE003, lr  }
0x1b: {  	s9 =	sadd.s32 $0xFFFFFEF7, lr;
	s5 =	simm.s32 $0xFFFFFFFF;
	p2 =	slt.u32 s8, $0xFFFFF086  }
0x1c: {  	p1 =	slt.u32 s9, $0xF7A;
	s5 =	simm.s32 @!p2 $0x0  }
0x1d: {  	s5 =	simm.s32 @p1 $0x1;
	p0 =	seq.s32 s7, s2  }
0x1e: {  	s7 =	smul.u32 @!p0 $0xF7A, s2;
	p2 =	seq.s32 @!p0 s5, $0x0  }
0x1f: {  	s9 =	smul.u32 $0xF7A, s1;
	s8 =	simm.s32 @!p0 $0x1BF5;
	p2 =	por !p2, p0  }
0x20: {  	[sflag:s8] =	ssyncset.s32 @!p0 $0xFFFFF086;
	s6 =	sadd.s32 @!p0 s3, s7;
	s7 =	simm.s32 @!p0 $0x108  }
0x21: {  	s3 =	sadd.s32 s3, s9;
	s6 =	sadd.s32 @!p0 $0x88, s6;
	s7 =	simm.s32 @p2 $0x1082  }
0x22: {  	[simem:s7], [sflag:s8] =	dma.local @!p0 [hbm:s6], $0xF7A  }
0x23: {  	s9 =	sor.u32 $0xD0000000, s2;
	s6 =	simm.s32 $0x108;
	_ =	swait.ge @!p0 [sflag:s8], $0x0  }
0x24: {  	s3 =	sadd.s32 $0x88, s3;
	s6 =	simm.s32 @!p1 $0x1082;
	[sflag:s4] =	ssyncset.s32 $0xFFFFF086  }
0x25: {  	[simem:s6], [sflag:s4] =	dma.local [hbm:s3], $0xF7A  }
0x26: {  	[smem:$0x3F9F] =	sst s1;
	(tag) =	ssettag s2;
	_ =	strace s9  }
0x27: {  	s1 =	sld [smem:$0x3FAF]  }
0x28: {  	s2 =	sld [smem:$0x3FB0]  }
0x29: {  	s4 =	sld [smem:$0x3FB2]  }
0x2a: {  	p0 =	seq.s32 s5, $0x0;
	s5 =	sld [smem:$0x3FB3]  }
0x2b: {  	s6 =	sld [smem:$0x3FB4]  }
0x2c: {  	s7 =	sld [smem:$0x3FB5]  }
0x2d: {  	s3 =	simm.s32 $0x108;
	s8 =	sld [smem:$0x3FB6]  }
0x2e: {  	s3 =	simm.s32 @!p0 $0x1082;
	s9 =	sld [smem:$0x3FB7]  }
0x2f: {  	lr =	sadd.s32 s0, s3;
	s0 =	sld [smem:$0x3FAE]  }
0x30: {  	s3 =	sld [smem:$0x3FB1]  }
0x31: {  	[smem:$0x3FBA] =	sst s10  }
0x32: {  	s10 =	sld [smem:$0x3FB8];
	_ =	sdelay $0x3  }
0x33: {  	p0 =	seq.s32 s10, $0x1;
	s10 =	sld [smem:$0x3FBA];
	_ =	sdelay $0x3  }
0x34: {  	[smem:$0x3FBA] =	sst s10  }
0x35: {  	s10 =	sld [smem:$0x3FB9];
	_ =	sdelay $0x3  }
0x36: {  	p1 =	seq.s32 s10, $0x1;
	s10 =	sld [smem:$0x3FBA];
	_ =	sdelay $0x3  }
0x37: {  	[smem:$0x3FBA] =	sst s10  }
0x38: {  	s10 =	sld [smem:$0x3FBB]  }
0x39: {  	_ = 	snop;
	(pc) =	sbr.ind lr, $3  }
0x3a: {  	_ = 	snop  }
0x3b: {  	_ = 	snop  }
0x3c: {  	p2 =	seq.s32 s10, $0x1;
	s10 =	sld [smem:$0x3FBA]  }
0x3d: {  	_ =	shalt  }
0x3e: {  	_ =	shalt  }
0x3f: {  	_ =	shalt  }
0x40: {  	_ =	shalt  }
0x41: {  	_ =	shalt  }
0x42: {  	_ =	shalt  }
0x43: {  	_ =	shalt  }
0x44: {  	_ =	shalt  }
0x45: {  	_ =	shalt  }
0x46: {  	_ =	shalt  }
0x47: {  	_ =	shalt  }
0x48: {  	_ =	shalt  }
0x49: {  	_ =	shalt  }
0x4a: {  	_ =	shalt  }
0x4b: {  	_ =	shalt  }
0x4c: {  	_ =	shalt  }
0x4d: {  	_ =	shalt  }
0x4e: {  	_ =	shalt  }
0x4f: {  	_ =	shalt  }
0x50: {  	_ =	shalt  }
0x51: {  	_ =	shalt  }
0x52: {  	_ =	shalt  }
0x53: {  	_ =	shalt  }
0x54: {  	_ =	shalt  }
0x55: {  	_ =	shalt  }
0x56: {  	_ =	shalt  }
0x57: {  	_ =	shalt  }
0x58: {  	_ =	shalt  }
0x59: {  	_ =	shalt  }
0x5a: {  	_ =	shalt  }
0x5b: {  	_ =	shalt  }
0x5c: {  	_ =	shalt  }
0x5d: {  	_ =	shalt  }
0x5e: {  	_ =	shalt  }
0x5f: {  	_ =	shalt  }
0x60: {  	_ =	shalt  }
0x61: {  	_ =	shalt  }
0x62: {  	_ =	shalt  }
0x63: {  	_ =	shalt  }
0x64: {  	_ =	shalt  }
0x65: {  	_ =	shalt  }
0x66: {  	_ =	shalt  }
0x67: {  	_ =	shalt  }
0x68: {  	_ =	shalt  }
0x69: {  	_ =	shalt  }
0x6a: {  	_ =	shalt  }
0x6b: {  	_ =	shalt  }
0x6c: {  	_ =	shalt  }
0x6d: {  	_ =	shalt  }
0x6e: {  	_ =	shalt  }
0x6f: {  	_ =	shalt  }
0x70: {  	_ =	shalt  }
0x71: {  	_ =	shalt  }
0x72: {  	_ =	shalt  }
0x73: {  	_ =	shalt  }
0x74: {  	_ =	shalt  }
0x75: {  	_ =	shalt  }
0x76: {  	_ =	shalt  }
0x77: {  	_ =	shalt  }
0x78: {  	_ =	shalt  }
0x79: {  	_ =	shalt  }
0x7a: {  	_ =	shalt  }
0x7b: {  	_ =	shalt  }
0x7c: {  	_ =	shalt  }
0x7d: {  	_ =	shalt  }
0x7e: {  	_ =	shalt  }
0x7f: {  	_ =	shalt  }
0x80: {  	_ =	shalt  }
0x81: {  	_ =	shalt  }
0x82: {  	_ =	shalt  }
0x83: {  	_ =	shalt  }
0x84: {  	_ =	shalt  }
0x85: {  	_ =	shalt  }
0x86: {  	_ =	shalt  }
0x87: {  	_ =	shalt  }
.Lfunc_end0:
.L_simem_size_0:
called_computation_lowered:
.L_overlay_start_0:
0x88: {  	s2 =	sld [smem:$0x3FD9]  }
0x89: {  	s3 =	sld [smem:$0x3FFE];
	_ =	sdelay $0x1  }
0x8a: {  	s1 =	srdreg.scid  }
0x8b: {  	s0 =	sand.u32 $0x1, s1  }
0x8c: {  	s17 =	sshll.u32 s0, $0xA;
	s2 =	sadd.s32 s3, s2  }
0x8d: {  	s2 =	sadd.s32 s2, s17  }
0x8e: {  	[smem:$0x3FC6] =	sst s2  }
0x8f: {  	_ = 	snop  }
0x90: {  	s2 =	sld [smem:$0x3FC8];
	(tm) =	ssettm $0x1  }
0x91: {  	s18 =	sld [smem:$0x3FFB];
	_ =	sdelay $0x3  }
0x92: {  	_ =	strace s18  }
0x93: {  	s3 =	sld [smem:$0x3FFC];
	_ =	sdelay $0x3  }
0x94: {  	_ =	strace s3  }
0x95: {  	s3 =	sld [smem:$0x3FFD];
	_ =	sdelay $0x3  }
0x96: {  	_ =	strace s3  }
0x97: {  	_ =	strace $0x8FFFFFFF  }
0x98: {  	s19 =	sld [smem:$0x3FDB];
	_ =	sdelay $0x1  }
0x99: {  	s4 =	simm.s32 $_scs_section_size  }
0x9a: {  	s5 =	simm.s32 $_size__tile_overlayer_lowered;
	s6 =	simm.s32 $_tile_overlayer_lowered  }
0x9b: {  	s22 =	simm.s32 $0x1BFF;
	s21 =	sshll.u32 s6, $0x1;
	s3 =	sadd.s32 s4, s19  }
0x9c: {  	s7 =	simm.s32 $0x0;
	s20 =	sshll.u32 s5, $0x1;
	s5 =	sadd.s32 s21, s3  }
0x9d: {  	[timem:s7], [sflag:s22] =	dma.local [hbm:s5], s20  }
0x9e: {  	_ =	swait.ge [sflag:s22], s20  }
0x9f: {  	s4 =	ssub.s32 $0x0, s20;
	[sflag:s22] =	ssyncset.done $0x0  }
0xa0: {  	[sflag:s22] =	ssyncadd.s32 s4;
	_ =	sdelay $0x1  }
0xa1: {  	s23 =	simm.s32 $0x1B8B  }
0xa2: {  	_ =	swait.ge [sflag:s23], $0x1  }
0xa3: {  	[sflag:s23] =	ssyncset.done $0x0  }
0xa4: {  	s25 =	simm.s32 $0x1B8E;
	s24 =	sld [smem:$0x3FFE];
	[sflag:s23] =	ssyncadd.s32 $0xFFFFFFFF  }
0xa5: {  	s26 =	simm.s32 $execute0_lowered;
	[smem:$0x3FD2] =	sst s25  }
0xa6: {  	s5 =	sshll.u32 s26, $0x1;
	_ =	strace $0x80000046;
	[dreg:$0x1] =	wrdreg $0xFFFFFFFF  }
0xa7: {  	s28 =	simm.s32 $_size_execute0_lowered;
	s3 =	sadd.s32 s3, s5;
	[dreg:$0x0] =	wrdreg $0x0  }
0xa8: {  	s5 =	sshll.u32 s28, $0x1;
	[dreg:$0x2] =	wrdreg s3  }
0xa9: {  	[dreg:$0x3] =	wrdreg s5  }
0xaa: {  	[dreg:$0x4] =	wrdreg $0xC0  }
0xab: {  	_ =	task [dreg:s7], $0x5FFFF  }
0xac: {  	[dreg:$0x1] =	wrdreg $0xFFFFFFFF  }
0xad: {  	[dreg:$0x0] =	wrdreg $0x60  }
0xae: {  	[dreg:$0x2] =	wrdreg s2  }
0xaf: {  	[dreg:$0x3] =	wrdreg s24  }
0xb0: {  	[dreg:$0x4] =	wrdreg $0x9  }
0xb1: {  	_ =	task.clear_ibuf [dreg:s7], $0x5FFFF;
	_ =	strace $0x90000046  }
0xb2: {  	s29 =	simm.s32 $0x9;
	_ =	strace $0x80000048  }
0xb3: {  	_ =	swait.ge [sflag:s29], $0x1  }
0xb4: {  	[sflag:s29] =	ssyncadd.s32 $0xFFFFFFFF  }
0xb5: {  	_ =	strace $0x90000048  }
0xb6: {  	_ =	sfence  }
0xb7: {  	s30 =	sld [smem:$0x0];
	_ =	sdelay $0x2  }
0xb8: {  	s31 =	sshll.u32 s1, $0xD;
	s1 =	sshrl.u32 s1, $0x2  }
0xb9: {  	s3 =	sand.u32 $0x4000, s31;
	s1 =	sadd.s32 s1, s30  }
0xba: {  	s0 =	sor.u32 s3, s0;
	s1 =	sshll.u32 s1, $0x11  }
0xbb: {  	s0 =	sor.u32 s1, s0  }
0xbc: {  	s0 =	sadd.s32 $0x8F2B, s0  }
0xbd: {  	[sflag:s0] =	ssyncadd.remote.s32 $0x1  }
0xbe: {  	_ =	sfence.sel $0xFFFF  }
0xbf: {  	[dreg:$0x0] =	wrdreg $0xFFFFFFFF;
	(pc) =	sbr.abs _section_cstart, $3  }
0xc0: {  	[dreg:$0x1] =	wrdreg $0xFFFFFFFF  }
0xc1: {  	_ =	task.clear_ibuf [dreg:s7], $0x2FFFF;
	_ =	strace $0x9FFFFFFF  }
0xc2: {  	(tm) =	ssettm $0x7FFFFFFF  }
0xc3: {  	_ =	shalt  }
tec
execute0_lowered:
.L_overlay_start_1:
0x0: {  	(tag) =	ssettag $0x1  }
0x1: {  	s2 =	rddreg [dreg:$0x0];
	s0 =	srdreg.scid  }
0x2: {  	s8 =	rddreg [dreg:$0x1];
	s1 =	stileid.u32  }
0x3: {  	s3 =	simm.s32 $0x0;
	s14 =	simm.s32 $0x80;
	s15 =	simm.s32 $0x400  }
0x4: {  	s16 =	simm.s32 $0x1C000;
	s17 =	simm.s32 $0x0;
	s6 =	sand.u32 $0x1, s0  }
0x5: {  	s0 =	rddreg [dreg:$0x2];
	s5 =	sshll.u32 s1, $0xC;
	s26 =	sshll.u32 s1, $0x7  }
0x6: {  	[smem:$0x7FF] =	sst s3;
	s30 =	ssub.s32 $0x10C, s1;
	s4 =	sshll.u32 s6, $0x10  }
0x7: {  	p0 =	sne.s32 s1, $0xD;
	_ =	strace $0x80000047;
	s7 =	sor.u32 s5, s4  }
0x8: {  	s5 =	smul.u32 $0x13D6400, s6;
	s6 =	ssub.s32 $0x2, s6;
	s4 =	sor.u32 s26, s7  }
0x9: {  	s10 =	sadd.s32 s7, s8;
	s29 =	sshrl.u32 s6, $0x1;
	s28 =	sand.u32 $0x18380, s4  }
.Ltmp0:
0xa: {  	s4 =	sadd.s32 $0xE00, s8;
	s12 =	sshrl.u32 s5, $0x3;
	(pc) =	sbr.rel .LBB2_1-.Ltmp0, $4  }
0xb: {  	s13 =	ssub.s32 s6, s29;
	s6 =	sshrl.u32 s30, $0x4;
	s9 =	sshrl.u32 s28, $0x3  }
0xc: {  	s31 =	sadd.s32 s2, s12;
	s12 =	simm.s32 $0x1;
	s11 =	sadd.s32 s9, s8  }
0xd: {  	s7 =	sadd.s32 $0x278800, s31;
	s8 =	sadd.s32 $0x4000, s8;
	s9 =	sadd.s32 $0x4200, s10  }
0xe: {  	v0 =	vimm.f32 $0.0e+00;
	s10 =	sadd.s32 $0x24200, s11;
	s11 =	smax.u32 s13, $0x1;
	s13 =	simm.s32 $0x14000  }
.LBB2_19:
0xf: {  	[hbm4b:s9+s3] =	stream.linear.scatter [tilespmem:s13], [sflag:$0x1], $0x8000, $0x38;
	[tilespmem:$0x1E000] =	vst v63  }
0x10: {  	s17 =	sadd.s32 $0x1, s17;
	_ =	swait.ge [sflag:s12], $0x8000  }
0x11: {  	p1 =	sne.s32 s17, s11;
	[sflag:s12] =	ssyncset.done $0x0  }
.Ltmp1:
0x12: {  	[sflag:s12] =	ssyncadd.s32 $0xFFFF8000;
	(pc) =	sbr.rel @!p1 .LBB2_20-.Ltmp1, $4  }
0x13: {  	[hbm4b:s10+s14] =	stream.strided.scatter [tilespmem:s16], [sflag:$0x1], $0x1000, s15, s14, $0x38;
	[tilespmem:$0x1E000] =	vst v63  }
0x14: {  	_ =	swait.ge [sflag:s12], $0x1000  }
0x15: {  	[sflag:s12] =	ssyncset.done $0x0  }
0x16: {  	[sflag:s12] =	ssyncadd.s32 $0xFFFFF000  }
.LBB2_1:
0x17: {  	s18 =	sand.u32 $0x70, s3;
	s19 =	sand.u32 $0x7C00, s3  }
0x18: {  	s19 =	sor.u32 s18, s19  }
0x19: {  	s18 =	sadd.s32 $0x14000, s19;
	[tilespmem:s19+$0x14000] =	vst v0  }
0x1a: {  	[tilespmem:s18+$0x80] =	vst v0  }
0x1b: {  	[tilespmem:s18+$0x100] =	vst v0  }
0x1c: {  	[tilespmem:s18+$0x180] =	vst v0  }
0x1d: {  	[tilespmem:s18+$0x200] =	vst v0  }
0x1e: {  	s20 =	simm.s32 $0x80;
	s21 =	simm.s32 $0x10;
	[tilespmem:s18+$0x280] =	vst v0  }
0x1f: {  	s21 =	sand.u32 $0x70, s21;
	s20 =	sand.u32 $0x7C00, s20;
	[tilespmem:s18+$0x300] =	vst v0  }
0x20: {  	[tilespmem:s18+$0x380] =	vst v0;
	s18 =	sor.u32 s21, s20  }
0x21: {  	s19 =	sadd.s32 $0x14000, s18;
	[tilespmem:s16+$0x0] =	vst v0  }
0x22: {  	[tilespmem:s19+$0x80] =	vst v0  }
0x23: {  	[tilespmem:s19+$0x100] =	vst v0  }
0x24: {  	[tilespmem:s19+$0x180] =	vst v0  }
0x25: {  	[tilespmem:s19+$0x200] =	vst v0  }
0x26: {  	[tilespmem:s19+$0x280] =	vst v0  }
0x27: {  	s22 =	simm.s32 $0x20;
	s21 =	simm.s32 $0x100;
	s20 =	simm.s32 $0x1C000;
	[tilespmem:s19+$0x300] =	vst v0  }
.LBB2_2:
0x28: {  	s23 =	sand.u32 $0x70, s22;
	s24 =	sand.u32 $0x7C00, s21;
	p1 =	sne.s32 s22, $0xFF0;
	[tilespmem:s19+$0x380] =	vst v0  }
0x29: {  	s20 =	sadd.s32 $0x10, s20;
	[tilespmem:s18+$0x14000] =	vst v0;
	s18 =	sor.u32 s23, s24  }
0x2a: {  	s19 =	sadd.s32 $0x14000, s18;
	[tilespmem:s20+$0x0] =	vst v0  }
0x2b: {  	[tilespmem:s19+$0x80] =	vst v0  }
.Ltmp2:
0x2c: {  	[tilespmem:s19+$0x100] =	vst v0;
	(pc) =	sbr.rel @p1 .LBB2_2-.Ltmp2, $4  }
0x2d: {  	[tilespmem:s19+$0x180] =	vst v0  }
0x2e: {  	[tilespmem:s19+$0x200] =	vst v0  }
0x2f: {  	[tilespmem:s19+$0x280] =	vst v0  }
0x30: {  	s21 =	sadd.s32 $0x80, s21;
	s22 =	sadd.s32 $0x10, s22;
	[tilespmem:s19+$0x300] =	vst v0  }
.Ltmp3:
0x31: {  	(pc) =	sbr.rel .LBB2_4-.Ltmp3, $4  }
0x32: {  	_ = 	snop  }
0x33: {  	[tilespmem:s19+$0x380] =	vst v0  }
0x34: {  	[tilespmem:s18+$0x14000] =	vst v0;
	s31 =	sadd.s32 $0x10, s20  }
0x35: {  	s18 =	simm.s32 $0x0;
	s19 =	simm.s32 $0x0;
	[tilespmem:s31+$0x0] =	vst v0  }
.LBB2_13:
0x36: {  	s19 =	sadd.s32 $0x1, s19  }
0x37: {  	p1 =	sne.s32 s19, s6  }
.Ltmp4:
0x38: {  	_ = 	snop;
	(pc) =	sbr.rel @!p1 .LBB2_14-.Ltmp4, $1  }
0x39: {  	_ =	sdelay $0x3  }
.LBB2_4:
0x3a: {  	s20 =	sshll.u32 s19, $0x4  }
0x3b: {  	s20 =	sor.u32 s1, s20  }
0x3c: {  	s21 =	smul.u32 $0x14000, s20  }
0x3d: {  	s20 =	smul.u32 $0x2800, s20  }
0x3e: {  	s21 =	sadd.s32 s5, s21  }
0x3f: {  	s22 =	sshrl.u32 s20, $0x5;
	s21 =	sshrl.u32 s21, $0x3  }
0x40: {  	s22 =	smulhi.u32 $0xA7C5AC5, s22;
	s21 =	sadd.s32 s2, s21  }
0x41: {  	[tilespmem:s18], [sflag:$0x1] =	stream.linear.gather [hbm4b:s21+s18], $0x14000, $0x38;
	[tilespmem:$0x1E000] =	vst v63  }
0x42: {  	s21 =	sshrl.u32 s22, $0x7  }
0x43: {  	_ =	swait.ge [sflag:s12], $0x14000;
	s22 =	sshll.u32 s21, $0x9  }
0x44: {  	[sflag:s12] =	ssyncset.done $0x0;
	s23 =	sadd.s32 s4, s22  }
.Ltmp5:
0x45: {  	s22 =	simm.s32 $0x1D000;
	[sflag:s12] =	ssyncadd.s32 $0xFFFEC000;
	(pc) =	sbr.rel .LBB2_5-.Ltmp5, $4  }
0x46: {  	[tilespmem:s22], [sflag:$0x1] =	stream.linear.gather [hbm4b:s23+s18], $0x1000, $0x38;
	[tilespmem:$0x1E000] =	vst v63  }
0x47: {  	_ =	swait.ge [sflag:s12], $0x1000  }
0x48: {  	s24 =	simm.s32 $0x0;
	s25 =	simm.s32 $0x0;
	[sflag:s12] =	ssyncset.done $0x0  }
0x49: {  	s26 =	simm.s32 $0x0;
	v1 =	vmov s20;
	s23 =	simm.s32 $0x1C000;
	[sflag:s12] =	ssyncadd.s32 $0xFFFFF000  }
.LBB2_7:
0x4a: {  	s26 =	sadd.s32 $0x10, s26  }
0x4b: {  	p1 =	sne.s32 s26, $0x1000  }
.Ltmp6:
0x4c: {  	_ = 	snop;
	(pc) =	sbr.rel @!p1 .LBB2_8-.Ltmp6, $3  }
0x4d: {  	_ =	sdelay $0x1  }
0x4e: {  	s25 =	sadd.s32 $0x80, s25  }
0x4f: {  	s24 =	sadd.s32 $0x1, s24;
	s22 =	sadd.s32 $0x10, s22;
	s23 =	sadd.s32 $0x10, s23  }
.LBB2_5:
0x50: {  	v2 =	vld [tilespmem:s22+$0x0];
	_ =	sdelay $0x4  }
0x51: {  	v2 =	vsub.s32 v2, v1  }
0x52: {  	vm0 =	vlt.u32 v2, $0x2800  }
0x53: {  	v3 =	vsel vm0, $0x3F800000, v0  }
0x54: {  	(xrf0) =	vmax.scan.msk.f32 $0xffff, v3;
	_ =	sdelay $0x5  }
0x55: {  	v3, _, _ =	vpop (xrf0)  }
0x56: {  	(v2sf) =	vpush v3, $0xF;
	_ =	sdelay $0xe  }
0x57: {  	s28 =	spop (v2sf)  }
0x58: {  	p1 =	sgt.f32 s28, $0.0e+00  }
.Ltmp7:
0x59: {  	_ = 	snop;
	(pc) =	sbr.rel @!p1 .LBB2_7-.Ltmp7, $1  }
0x5a: {  	_ =	sdelay $0x3  }
0x5b: {  	vm1 =	vgt.s32 v2, $0x0  }
0x5c: {  	v2 =	vnsel vm1, $0x0, v2  }
0x5d: {  	v2 =	vmin.u32 v2, $0x27FF  }
0x5e: {  	v3 =	vshll.u32 v2, $0x3  }
0x5f: {  	v2 =	vand.u32 $0x7F, v2;
	v3 =	vand.u32 $0x1FC00, v3  }
0x60: {  	v2 =	vor.u32 v2, v3;
	_ =	sdelay $0x3  }
0x61: {  	s28 =	sand.u32 $0x70, s26;
	s29 =	sand.u32 $0x7C00, s25  }
0x62: {  	s28 =	sor.u32 s28, s29;
	v3 =	vld.idx.msk [tilespmem:v2+s3+$0x0], $0xffff  }
0x63: {  	v4 =	vld [tilespmem:s28+$0x14000];
	_ =	sdelay $0x2  }
0x64: {  	v5 =	vor.u32 $0x80, v2  }
0x65: {  	v3 =	vnsel vm0, $0x0, v3  }
0x66: {  	v4 =	vadd.f32 v3, v4;
	_ =	sdelay $0x1  }
0x67: {  	v6 =	vld [tilespmem:s23+$0x0];
	[tilespmem:s28+$0x14000] =	vst v4  }
0x68: {  	s28 =	sadd.s32 $0x14000, s28;
	v4 =	vld.idx.msk [tilespmem:v5+s3+$0x0], $0xffff  }
0x69: {  	v50 =	vld [tilespmem:s28+$0x80];
	_ =	sdelay $0x2  }
0x6a: {  	v7 =	vor.u32 $0x100, v2  }
0x6b: {  	v4 =	vnsel vm0, $0x0, v4  }
0x6c: {  	v5 =	vadd.f32 v4, v50;
	_ =	sdelay $0x1  }
0x6d: {  	[tilespmem:s28+$0x80] =	vst v5  }
0x6e: {  	v5 =	vld.idx.msk [tilespmem:v7+s3+$0x0], $0xffff  }
0x6f: {  	v51 =	vld [tilespmem:s28+$0x100];
	_ =	sdelay $0x2  }
0x70: {  	v8 =	vor.u32 $0x180, v2  }
0x71: {  	v5 =	vnsel vm0, $0x0, v5  }
0x72: {  	v7 =	vadd.f32 v5, v51;
	_ =	sdelay $0x1  }
0x73: {  	[tilespmem:s28+$0x100] =	vst v7  }
0x74: {  	v7 =	vld.idx.msk [tilespmem:v8+s3+$0x0], $0xffff  }
0x75: {  	v52 =	vld [tilespmem:s28+$0x180];
	_ =	sdelay $0x2  }
0x76: {  	v9 =	vor.u32 $0x200, v2  }
0x77: {  	v7 =	vnsel vm0, $0x0, v7  }
0x78: {  	v8 =	vadd.f32 v7, v52;
	_ =	sdelay $0x1  }
0x79: {  	[tilespmem:s28+$0x180] =	vst v8  }
0x7a: {  	v8 =	vld.idx.msk [tilespmem:v9+s3+$0x0], $0xffff  }
0x7b: {  	v53 =	vld [tilespmem:s28+$0x200];
	_ =	sdelay $0x2  }
0x7c: {  	v10 =	vor.u32 $0x280, v2  }
0x7d: {  	v8 =	vnsel vm0, $0x0, v8  }
0x7e: {  	v9 =	vadd.f32 v8, v53;
	_ =	sdelay $0x1  }
0x7f: {  	[tilespmem:s28+$0x200] =	vst v9  }
0x80: {  	v9 =	vld.idx.msk [tilespmem:v10+s3+$0x0], $0xffff  }
0x81: {  	v54 =	vld [tilespmem:s28+$0x280];
	_ =	sdelay $0x2  }
0x82: {  	v11 =	vor.u32 $0x300, v2  }
0x83: {  	v9 =	vnsel vm0, $0x0, v9  }
0x84: {  	v10 =	vadd.f32 v9, v54;
	_ =	sdelay $0x1  }
0x85: {  	[tilespmem:s28+$0x280] =	vst v10  }
0x86: {  	v10 =	vld.idx.msk [tilespmem:v11+s3+$0x0], $0xffff  }
0x87: {  	v3 =	vmul.f32 v3, v3;
	v55 =	vld [tilespmem:s28+$0x300];
	_ =	sdelay $0x1  }
0x88: {  	v3 =	vadd.f32 v3, v6;
	v4 =	vmul.f32 v4, v4  }
0x89: {  	v2 =	vor.u32 $0x380, v2  }
0x8a: {  	v3 =	vadd.f32 v4, v3;
	v56 =	vmul.f32 v5, v5;
	v57 =	vnsel vm0, $0x0, v10  }
0x8b: {  	v58 =	vadd.f32 v57, v55  }
0x8c: {  	s30 =	sand.u32 $0x7, s24;
	v3 =	vadd.f32 v56, v3;
	v59 =	vmul.f32 v7, v7  }
0x8d: {  	s31 =	sshll.u32 s30, $0x4;
	[tilespmem:s28+$0x300] =	vst v58  }
0x8e: {  	v3 =	vadd.f32 v59, v3;
	v60 =	vmul.f32 v8, v8;
	s28 =	sadd.s32 s31, s25;
	v2 =	vld.idx.msk [tilespmem:v2+s3+$0x0], $0xffff  }
0x8f: {  	s28 =	sor.u32 $0x380, s28  }
0x90: {  	v3 =	vadd.f32 v60, v3;
	v61 =	vmul.f32 v9, v9;
	v6 =	vld [tilespmem:s28+$0x14000];
	_ =	sdelay $0x1  }
0x91: {  	v3 =	vadd.f32 v61, v3;
	v62 =	vmul.f32 v57, v57  }
0x92: {  	v2 =	vnsel vm0, $0x0, v2  }
.Ltmp8:
0x93: {  	v3 =	vadd.f32 v62, v3;
	v63 =	vmul.f32 v2, v2;
	(pc) =	sbr.rel .LBB2_7-.Ltmp8, $4  }
0x94: {  	v2 =	vadd.f32 v2, v6  }
0x95: {  	v3 =	vadd.f32 v63, v3  }
0x96: {  	[tilespmem:s28+$0x14000] =	vst v2  }
0x97: {  	[tilespmem:s23+$0x0] =	vst v3  }
.LBB2_8:
0x98: {  	s20 =	sadd.s32 $0x27E0, s20  }
0x99: {  	s20 =	sshrl.u32 s20, $0x5  }
0x9a: {  	s20 =	smulhi.u32 $0xA7C5AC5, s20;
	_ =	sdelay $0x1  }
0x9b: {  	s20 =	sshrl.u32 s20, $0x7  }
0x9c: {  	p1 =	seq.s32 s20, s21  }
.Ltmp9:
0x9d: {  	_ = 	snop;
	(pc) =	sbr.rel @p1 .LBB2_13-.Ltmp9, $1  }
0x9e: {  	_ =	sdelay $0x3  }
0x9f: {  	s20 =	sshll.u32 s20, $0x9;
	s21 =	simm.s32 $0x1D000  }
.Ltmp10:
0xa0: {  	s22 =	sadd.s32 s4, s20;
	s20 =	simm.s32 $0x0;
	(pc) =	sbr.rel .LBB2_10-.Ltmp10, $4  }
0xa1: {  	[tilespmem:s21], [sflag:$0x1] =	stream.linear.gather [hbm4b:s22+s20], $0x1000, $0x38;
	[tilespmem:$0x1E000] =	vst v63  }
0xa2: {  	_ =	swait.ge [sflag:s12], $0x1000  }
0xa3: {  	s23 =	simm.s32 $0x0;
	[sflag:s12] =	ssyncset.done $0x0  }
0xa4: {  	s24 =	simm.s32 $0x0;
	s22 =	simm.s32 $0x1C000;
	[sflag:s12] =	ssyncadd.s32 $0xFFFFF000  }
.LBB2_12:
0xa5: {  	s24 =	sadd.s32 $0x10, s24  }
0xa6: {  	p1 =	sne.s32 s24, $0x1000  }
.Ltmp11:
0xa7: {  	_ = 	snop;
	(pc) =	sbr.rel @!p1 .LBB2_13-.Ltmp11, $3  }
0xa8: {  	_ =	sdelay $0x1  }
0xa9: {  	s23 =	sadd.s32 $0x80, s23  }
0xaa: {  	s20 =	sadd.s32 $0x1, s20;
	s21 =	sadd.s32 $0x10, s21;
	s22 =	sadd.s32 $0x10, s22  }
.LBB2_10:
0xab: {  	v2 =	vld [tilespmem:s21+$0x0];
	_ =	sdelay $0x4  }
0xac: {  	v2 =	vsub.s32 v2, v1  }
0xad: {  	vm0 =	vlt.u32 v2, $0x2800  }
0xae: {  	v3 =	vsel vm0, $0x3F800000, v0  }
0xaf: {  	(xrf0) =	vmax.scan.msk.f32 $0xffff, v3;
	_ =	sdelay $0x5  }
0xb0: {  	v3, _, _ =	vpop (xrf0)  }
0xb1: {  	(v2sf) =	vpush v3, $0xF;
	_ =	sdelay $0xe  }
0xb2: {  	s25 =	spop (v2sf)  }
0xb3: {  	p1 =	sgt.f32 s25, $0.0e+00  }
.Ltmp12:
0xb4: {  	_ = 	snop;
	(pc) =	sbr.rel @!p1 .LBB2_12-.Ltmp12, $1  }
0xb5: {  	_ =	sdelay $0x3  }
0xb6: {  	vm1 =	vgt.s32 v2, $0x0  }
0xb7: {  	v2 =	vnsel vm1, $0x0, v2  }
0xb8: {  	v2 =	vmin.u32 v2, $0x27FF  }
0xb9: {  	v3 =	vshll.u32 v2, $0x3  }
0xba: {  	v2 =	vand.u32 $0x7F, v2;
	v3 =	vand.u32 $0x1FC00, v3  }
0xbb: {  	v2 =	vor.u32 v2, v3;
	_ =	sdelay $0x3  }
0xbc: {  	s25 =	sand.u32 $0x70, s24;
	s26 =	sand.u32 $0x7C00, s23  }
0xbd: {  	s25 =	sor.u32 s25, s26;
	v3 =	vld.idx.msk [tilespmem:v2+s3+$0x0], $0xffff  }
0xbe: {  	v4 =	vld [tilespmem:s25+$0x14000];
	_ =	sdelay $0x2  }
0xbf: {  	v5 =	vor.u32 $0x80, v2  }
0xc0: {  	v3 =	vnsel vm0, $0x0, v3  }
0xc1: {  	v4 =	vadd.f32 v3, v4;
	_ =	sdelay $0x1  }
0xc2: {  	v6 =	vld [tilespmem:s22+$0x0];
	[tilespmem:s25+$0x14000] =	vst v4  }
0xc3: {  	s25 =	sadd.s32 $0x14000, s25;
	v4 =	vld.idx.msk [tilespmem:v5+s3+$0x0], $0xffff  }
0xc4: {  	v50 =	vld [tilespmem:s25+$0x80];
	_ =	sdelay $0x2  }
0xc5: {  	v7 =	vor.u32 $0x100, v2  }
0xc6: {  	v4 =	vnsel vm0, $0x0, v4  }
0xc7: {  	v5 =	vadd.f32 v4, v50;
	_ =	sdelay $0x1  }
0xc8: {  	[tilespmem:s25+$0x80] =	vst v5  }
0xc9: {  	v5 =	vld.idx.msk [tilespmem:v7+s3+$0x0], $0xffff  }
0xca: {  	v51 =	vld [tilespmem:s25+$0x100];
	_ =	sdelay $0x2  }
0xcb: {  	v8 =	vor.u32 $0x180, v2  }
0xcc: {  	v5 =	vnsel vm0, $0x0, v5  }
0xcd: {  	v7 =	vadd.f32 v5, v51;
	_ =	sdelay $0x1  }
0xce: {  	[tilespmem:s25+$0x100] =	vst v7  }
0xcf: {  	v7 =	vld.idx.msk [tilespmem:v8+s3+$0x0], $0xffff  }
0xd0: {  	v52 =	vld [tilespmem:s25+$0x180];
	_ =	sdelay $0x2  }
0xd1: {  	v9 =	vor.u32 $0x200, v2  }
0xd2: {  	v7 =	vnsel vm0, $0x0, v7  }
0xd3: {  	v8 =	vadd.f32 v7, v52;
	_ =	sdelay $0x1  }
0xd4: {  	[tilespmem:s25+$0x180] =	vst v8  }
0xd5: {  	v8 =	vld.idx.msk [tilespmem:v9+s3+$0x0], $0xffff  }
0xd6: {  	v53 =	vld [tilespmem:s25+$0x200];
	_ =	sdelay $0x2  }
0xd7: {  	v10 =	vor.u32 $0x280, v2  }
0xd8: {  	v8 =	vnsel vm0, $0x0, v8  }
0xd9: {  	v9 =	vadd.f32 v8, v53;
	_ =	sdelay $0x1  }
0xda: {  	[tilespmem:s25+$0x200] =	vst v9  }
0xdb: {  	v9 =	vld.idx.msk [tilespmem:v10+s3+$0x0], $0xffff  }
0xdc: {  	v54 =	vld [tilespmem:s25+$0x280];
	_ =	sdelay $0x2  }
0xdd: {  	v11 =	vor.u32 $0x300, v2  }
0xde: {  	v9 =	vnsel vm0, $0x0, v9  }
0xdf: {  	v10 =	vadd.f32 v9, v54;
	_ =	sdelay $0x1  }
0xe0: {  	[tilespmem:s25+$0x280] =	vst v10  }
0xe1: {  	v10 =	vld.idx.msk [tilespmem:v11+s3+$0x0], $0xffff  }
0xe2: {  	v3 =	vmul.f32 v3, v3;
	v55 =	vld [tilespmem:s25+$0x300];
	_ =	sdelay $0x1  }
0xe3: {  	v3 =	vadd.f32 v3, v6;
	v4 =	vmul.f32 v4, v4  }
0xe4: {  	v2 =	vor.u32 $0x380, v2  }
0xe5: {  	v3 =	vadd.f32 v4, v3;
	v56 =	vmul.f32 v5, v5;
	v57 =	vnsel vm0, $0x0, v10  }
0xe6: {  	v58 =	vadd.f32 v57, v55  }
0xe7: {  	s30 =	sand.u32 $0x7, s20;
	v3 =	vadd.f32 v56, v3;
	v59 =	vmul.f32 v7, v7  }
0xe8: {  	s31 =	sshll.u32 s30, $0x4;
	[tilespmem:s25+$0x300] =	vst v58  }
0xe9: {  	v3 =	vadd.f32 v59, v3;
	v60 =	vmul.f32 v8, v8;
	s25 =	sadd.s32 s31, s23;
	v2 =	vld.idx.msk [tilespmem:v2+s3+$0x0], $0xffff  }
0xea: {  	s25 =	sor.u32 $0x380, s25  }
0xeb: {  	v3 =	vadd.f32 v60, v3;
	v61 =	vmul.f32 v9, v9;
	v6 =	vld [tilespmem:s25+$0x14000];
	_ =	sdelay $0x1  }
0xec: {  	v3 =	vadd.f32 v61, v3;
	v62 =	vmul.f32 v57, v57  }
0xed: {  	v2 =	vnsel vm0, $0x0, v2  }
.Ltmp13:
0xee: {  	v3 =	vadd.f32 v62, v3;
	v63 =	vmul.f32 v2, v2;
	(pc) =	sbr.rel .LBB2_12-.Ltmp13, $4  }
0xef: {  	v2 =	vadd.f32 v2, v6  }
0xf0: {  	v3 =	vadd.f32 v63, v3  }
0xf1: {  	[tilespmem:s25+$0x14000] =	vst v2  }
0xf2: {  	[tilespmem:s22+$0x0] =	vst v3  }
.LBB2_14:
.Ltmp14:
0xf3: {  	(pc) =	sbr.rel @p0 .LBB2_19-.Ltmp14, $1  }
0xf4: {  	_ =	sdelay $0x3  }
0xf5: {  	s18 =	simm.s32 $0x0  }
0xf6: {  	[tilespmem:s18], [sflag:$0x1] =	stream.linear.gather [hbm4b:s7+s18], $0x12000, $0x38;
	[tilespmem:$0x1E000] =	vst v63  }
0xf7: {  	_ =	swait.ge [sflag:s12], $0x12000  }
0xf8: {  	[sflag:s12] =	ssyncset.done $0x0  }
.Ltmp15:
0xf9: {  	s19 =	simm.s32 $0x1D000;
	[sflag:s12] =	ssyncadd.s32 $0xFFFEE000;
	(pc) =	sbr.rel .LBB2_16-.Ltmp15, $4  }
0xfa: {  	[tilespmem:s19], [sflag:$0x1] =	stream.linear.gather [hbm4b:s8+s18], $0x1000, $0x38;
	[tilespmem:$0x1E000] =	vst v63  }
0xfb: {  	_ =	swait.ge [sflag:s12], $0x1000  }
0xfc: {  	s20 =	simm.s32 $0x1C000;
	[sflag:s12] =	ssyncset.done $0x0  }
0xfd: {  	s21 =	simm.s32 $0x0;
	s22 =	simm.s32 $0x0;
	[sflag:s12] =	ssyncadd.s32 $0xFFFFF000  }
.LBB2_18:
0xfe: {  	s22 =	sadd.s32 $0x10, s22  }
0xff: {  	p1 =	sne.s32 s22, $0x1000  }
.Ltmp16:
0x100: {  	_ = 	snop;
	(pc) =	sbr.rel @!p1 .LBB2_19-.Ltmp16, $3  }
0x101: {  	_ =	sdelay $0x1  }
0x102: {  	s21 =	sadd.s32 $0x80, s21  }
0x103: {  	s18 =	sadd.s32 $0x1, s18;
	s19 =	sadd.s32 $0x10, s19;
	s20 =	sadd.s32 $0x10, s20  }
.LBB2_16:
0x104: {  	v1 =	vld [tilespmem:s19+$0x0];
	_ =	sdelay $0x4  }
0x105: {  	v1 =	vadd.s32 $0xFFD87800, v1  }
0x106: {  	vm0 =	vlt.u32 v1, $0x2400  }
0x107: {  	v2 =	vsel vm0, $0x3F800000, v0  }
0x108: {  	(xrf0) =	vmax.scan.msk.f32 $0xffff, v2;
	_ =	sdelay $0x5  }
0x109: {  	v2, _, _ =	vpop (xrf0)  }
0x10a: {  	(v2sf) =	vpush v2, $0xF;
	_ =	sdelay $0xe  }
0x10b: {  	s23 =	spop (v2sf)  }
0x10c: {  	p1 =	sgt.f32 s23, $0.0e+00  }
.Ltmp17:
0x10d: {  	_ = 	snop;
	(pc) =	sbr.rel @!p1 .LBB2_18-.Ltmp17, $1  }
0x10e: {  	_ =	sdelay $0x3  }
0x10f: {  	vm1 =	vgt.s32 v1, $0x0  }
0x110: {  	v1 =	vnsel vm1, $0x0, v1  }
0x111: {  	v1 =	vmin.u32 v1, $0x23FF  }
0x112: {  	v2 =	vshll.u32 v1, $0x3  }
0x113: {  	v1 =	vand.u32 $0x7F, v1;
	v2 =	vand.u32 $0x1FC00, v2  }
0x114: {  	v1 =	vor.u32 v1, v2;
	_ =	sdelay $0x3  }
0x115: {  	s23 =	sand.u32 $0x70, s22;
	s24 =	sand.u32 $0x7C00, s21  }
0x116: {  	s23 =	sor.u32 s23, s24;
	v2 =	vld.idx.msk [tilespmem:v1+s3+$0x0], $0xffff  }
0x117: {  	v3 =	vld [tilespmem:s23+$0x14000];
	_ =	sdelay $0x2  }
0x118: {  	v4 =	vor.u32 $0x80, v1  }
0x119: {  	v2 =	vnsel vm0, $0x0, v2  }
0x11a: {  	v3 =	vadd.f32 v2, v3;
	_ =	sdelay $0x1  }
0x11b: {  	v5 =	vld [tilespmem:s20+$0x0];
	[tilespmem:s23+$0x14000] =	vst v3  }
0x11c: {  	s23 =	sadd.s32 $0x14000, s23;
	v3 =	vld.idx.msk [tilespmem:v4+s3+$0x0], $0xffff  }
0x11d: {  	v56 =	vld [tilespmem:s23+$0x80];
	_ =	sdelay $0x2  }
0x11e: {  	v6 =	vor.u32 $0x100, v1  }
0x11f: {  	v3 =	vnsel vm0, $0x0, v3  }
0x120: {  	v4 =	vadd.f32 v3, v56;
	_ =	sdelay $0x1  }
0x121: {  	[tilespmem:s23+$0x80] =	vst v4  }
0x122: {  	v4 =	vld.idx.msk [tilespmem:v6+s3+$0x0], $0xffff  }
0x123: {  	v57 =	vld [tilespmem:s23+$0x100];
	_ =	sdelay $0x2  }
0x124: {  	v7 =	vor.u32 $0x180, v1  }
0x125: {  	v4 =	vnsel vm0, $0x0, v4  }
0x126: {  	v6 =	vadd.f32 v4, v57;
	_ =	sdelay $0x1  }
0x127: {  	[tilespmem:s23+$0x100] =	vst v6  }
0x128: {  	v6 =	vld.idx.msk [tilespmem:v7+s3+$0x0], $0xffff  }
0x129: {  	v58 =	vld [tilespmem:s23+$0x180];
	_ =	sdelay $0x2  }
0x12a: {  	v8 =	vor.u32 $0x200, v1  }
0x12b: {  	v6 =	vnsel vm0, $0x0, v6  }
0x12c: {  	v7 =	vadd.f32 v6, v58;
	_ =	sdelay $0x1  }
0x12d: {  	[tilespmem:s23+$0x180] =	vst v7  }
0x12e: {  	v7 =	vld.idx.msk [tilespmem:v8+s3+$0x0], $0xffff  }
0x12f: {  	v59 =	vld [tilespmem:s23+$0x200];
	_ =	sdelay $0x2  }
0x130: {  	v9 =	vor.u32 $0x280, v1  }
0x131: {  	v7 =	vnsel vm0, $0x0, v7  }
0x132: {  	v8 =	vadd.f32 v7, v59;
	_ =	sdelay $0x1  }
0x133: {  	[tilespmem:s23+$0x200] =	vst v8  }
0x134: {  	v8 =	vld.idx.msk [tilespmem:v9+s3+$0x0], $0xffff  }
0x135: {  	v60 =	vld [tilespmem:s23+$0x280];
	_ =	sdelay $0x2  }
0x136: {  	v10 =	vor.u32 $0x300, v1  }
0x137: {  	v8 =	vnsel vm0, $0x0, v8  }
0x138: {  	v9 =	vadd.f32 v8, v60;
	_ =	sdelay $0x1  }
0x139: {  	[tilespmem:s23+$0x280] =	vst v9  }
0x13a: {  	v9 =	vld.idx.msk [tilespmem:v10+s3+$0x0], $0xffff  }
0x13b: {  	v2 =	vmul.f32 v2, v2;
	v61 =	vld [tilespmem:s23+$0x300];
	_ =	sdelay $0x1  }
0x13c: {  	v2 =	vadd.f32 v2, v5;
	v3 =	vmul.f32 v3, v3  }
0x13d: {  	v1 =	vor.u32 $0x380, v1  }
0x13e: {  	v2 =	vadd.f32 v3, v2;
	v3 =	vmul.f32 v4, v4;
	v62 =	vnsel vm0, $0x0, v9  }
0x13f: {  	v63 =	vadd.f32 v62, v61  }
0x140: {  	s30 =	sand.u32 $0x7, s18;
	v2 =	vadd.f32 v3, v2;
	v3 =	vmul.f32 v6, v6  }
0x141: {  	s31 =	sshll.u32 s30, $0x4;
	[tilespmem:s23+$0x300] =	vst v63  }
0x142: {  	v2 =	vadd.f32 v3, v2;
	v3 =	vmul.f32 v7, v7;
	s23 =	sadd.s32 s31, s21;
	v1 =	vld.idx.msk [tilespmem:v1+s3+$0x0], $0xffff  }
0x143: {  	s23 =	sor.u32 $0x380, s23  }
0x144: {  	v2 =	vadd.f32 v3, v2;
	v3 =	vmul.f32 v8, v8;
	v5 =	vld [tilespmem:s23+$0x14000];
	_ =	sdelay $0x1  }
0x145: {  	v2 =	vadd.f32 v3, v2;
	v3 =	vmul.f32 v62, v62  }
0x146: {  	v1 =	vnsel vm0, $0x0, v1  }
.Ltmp18:
0x147: {  	v2 =	vadd.f32 v3, v2;
	v3 =	vmul.f32 v1, v1;
	(pc) =	sbr.rel .LBB2_18-.Ltmp18, $4  }
0x148: {  	v1 =	vadd.f32 v1, v5  }
0x149: {  	v2 =	vadd.f32 v3, v2  }
0x14a: {  	[tilespmem:s23+$0x14000] =	vst v1  }
0x14b: {  	[tilespmem:s20+$0x0] =	vst v2  }
.LBB2_20:
0x14c: {  	_ =	sfence.sel $0x180000  }
0x14d: {  	[bflag:$0x0] =	sbarrier.arrive $0xFFFF  }
0x14e: {  	p0 =	sne.s32 s1, $0x0;
	_ =	strace $0x90000047  }
0x14f: {  	s0 =	sadd.s32 @!p0 $0x100000, s0;
	[bflag:$0x2] =	sbarrier.arrive $0xFFFF  }
0x150: {  	[sflag:s0] =	ssyncadd.tile.s32 @!p0 $0x1;
	_ =	shalt  }
.Lfunc_end2:
_tile_overlayer_lowered:
.L_overlay_start_2:
0x151: {  	(tag) =	ssettag $0x2  }
0x152: {  	s0 =	rddreg [dreg:$0x0];
	s2 =	stileid.u32  }
0x153: {  	s1 =	rddreg [dreg:$0x1];
	p0 =	sne.s32 s2, $0x0  }
0x154: {  	s3 =	rddreg [dreg:$0x2];
	[bflag:$0x3] =	sbarrier.arrive $0xFFFF;
	s2 =	simm.s32 @!p0 $0x1C01  }
0x155: {  	[timem:s3], [sflag:s2] =	dma.local @!p0 [hbm:s0], s1  }
0x156: {  	s0 =	simm.s32 @!p0 $0x1  }
0x157: {  	_ =	swait.ge @!p0 [sflag:s0], s1  }
0x158: {  	s1 =	ssub.s32 @!p0 $0x0, s1;
	[sflag:s0] =	ssyncset.done @!p0 $0x0  }
0x159: {  	[sflag:s0] =	ssyncadd.s32 @!p0 s1  }
0x15a: {  	[bflag:$0x3] =	sbarrier.arrive $0xFFFF  }
0x15b: {  	_ =	shalt  }

</sc_bundles>
